<compile_context>
chip_gen: v7x
topology: tpu7x:2x2x1
jax: 0.10.2.dev20260603
libtpu: 0.0.44.dev20260713+nightly
codegen_flags: <defaults>
</compile_context>

<pallas_src>
import functools

import jax
import jax.numpy as jnp
from jax import lax
from jax.experimental import pallas as pl
from jax.experimental.pallas import tpu as pltpu
from jax.experimental.pallas import tpu_sc as plsc

_B, _N, _K, _D, _S, _H = 32, 64, 16, 128, 100, 128
_NN = _N * _N
_MU_STEP = 12.0 / (_K - 1)
_GAMMA = 1.0 / (2.0 * 0.5 ** 2)
_UPDATE_RATE = 0.1
_DECAY = 0.5
_N_CONV = 3


def _sc_gather(table_hbm, idx_hbm, out_hbm, idx_v, rows_v, sem):
    info = plsc.get_sparse_core_info()
    wid = lax.axis_index("s") * info.num_cores + lax.axis_index("c")
    rows_per_w = idx_v.shape[0]
    base = wid * rows_per_w
    pltpu.sync_copy(idx_hbm.at[pl.ds(base, rows_per_w)], idx_v)
    pltpu.async_copy(table_hbm.at[idx_v], rows_v, sem).wait()
    pltpu.sync_copy(rows_v, out_hbm.at[pl.ds(base, rows_per_w)])


def _embed_sc(emb, x_flat):
    info = plsc.get_sparse_core_info()
    nw = info.num_cores * info.num_subcores
    n_rows = x_flat.shape[0]
    rows_per_w = n_rows // nw
    mesh = plsc.VectorSubcoreMesh(core_axis_name="c", subcore_axis_name="s")
    k = functools.partial(
        pl.kernel,
        mesh=mesh,
        out_type=jax.ShapeDtypeStruct((n_rows, _D), jnp.float32),
        scratch_types=[
            pltpu.VMEM((rows_per_w,), jnp.int32),
            pltpu.VMEM((rows_per_w, _D), jnp.float32),
            pltpu.SemaphoreType.DMA,
        ],
    )(_sc_gather)
    return k(emb, x_flat)


_MOLS_PER_STEP = 16


def _body(h0_ref, dist_ref, W1_ref, b1_ref, W2_ref, b2_ref,
          Wp1_ref, bp1_ref, Wp2_ref, bp2_ref, out_ref):
    f32 = jnp.float32
    mu = jax.lax.broadcasted_iota(jnp.int32, (_K, 1), 0).astype(f32) * _MU_STEP
    ii = jax.lax.broadcasted_iota(jnp.int32, (_N, _N, 1), 0)
    jj = jax.lax.broadcasted_iota(jnp.int32, (_N, _N, 1), 1)
    offdiag = (ii != jj).astype(f32)
    w1b = jnp.concatenate([W1_ref[...], b1_ref[...]], axis=0)
    ones_row = jnp.ones((1, _N * _N), f32)
    for m in range(_MOLS_PER_STEP):
        d_row = dist_ref[m]
        rbf_t = jnp.concatenate(
            [jnp.exp(-_GAMMA * (d_row - mu) ** 2), ones_row], axis=0)
        hid = jnp.tanh(jax.lax.dot_general(rbf_t, w1b,
                                           (((0,), (0,)), ((), ())),
                                           preferred_element_type=f32))
        filt = jax.lax.dot_general(hid, W2_ref[...],
                                   (((1,), (0,)), ((), ())),
                                   preferred_element_type=f32) + b2_ref[...]
        filt3 = filt.reshape(_N, _N, _D) * offdiag

        h = h0_ref[m]
        for t in range(_N_CONV):
            msg = jnp.sum(filt3 * h[:, None, :], axis=0)
            h = h + (_UPDATE_RATE * _DECAY ** t) * msg

        e = jnp.tanh(jax.lax.dot_general(h, Wp1_ref[...],
                                         (((1,), (0,)), ((), ())),
                                         preferred_element_type=f32)
                     + bp1_ref[...])
        node_e = jax.lax.dot_general(e, Wp2_ref[...],
                                     (((1,), (0,)), ((), ())),
                                     preferred_element_type=f32) + bp2_ref[...]
        row = _MOLS_PER_STEP * pl.program_id(0) + m
        out_ref[pl.ds(row, 1), :] = jnp.sum(node_e, axis=0, keepdims=True)


def _tc_dense(h0, dist3, W1, b1, W2, b2, Wp1, bp1, Wp2, bp2):
    nb = h0.shape[0]
    rep = lambda *shape: pl.BlockSpec(shape, lambda b: (0,) * len(shape))
    return pl.pallas_call(
        _body,
        grid=(nb // _MOLS_PER_STEP,),
        in_specs=[
            pl.BlockSpec((_MOLS_PER_STEP, _N, _D), lambda b: (b, 0, 0)),
            pl.BlockSpec((_MOLS_PER_STEP, 1, _N * _N), lambda b: (b, 0, 0)),
            rep(_K, _H),
            rep(1, _H),
            rep(_H, _D),
            rep(1, _D),
            rep(_D, 64),
            rep(1, 64),
            rep(64, 1),
            rep(1, 1),
        ],
        out_specs=pl.BlockSpec((nb, 1), lambda b: (0, 0)),
        out_shape=jax.ShapeDtypeStruct((nb, 1), jnp.float32),
    )(h0, dist3, W1, b1, W2, b2, Wp1, bp1, Wp2, bp2)


def kernel(x, dist, emb, W1, b1, W2, b2, Wp1, bp1, Wp2, bp2):
    B, N = x.shape
    emb = emb.astype(jnp.float32)
    x = x.astype(jnp.int32)
    dist3 = dist.astype(jnp.float32).reshape(B, 1, N * N)
    h0 = _embed_sc(emb, x.reshape(B * N)).reshape(B, N, _D)
    w = (W1, b1.reshape(1, _H), W2, b2.reshape(1, _D),
         Wp1, bp1.reshape(1, 64), Wp2, bp2.reshape(1, 1))
    return _tc_dense(h0, dist3, *w)

# --- scband reference (transcript-rebuilt; emitter-appended) ---
"""Pipeline reference for scband-idnnx-25786983645306 (READ-ONLY COPY).

The authoritative reference and input builder live on the scoring server;
editing this copy changes nothing except your own understanding.
"""

import jax, jax.numpy as jnp
import numpy as np

B, N, K, D, S, H = 32, 64, 16, 128, 100, 128
MU = jnp.linspace(0.0, 12.0, K)
GAMMA = 1.0 / (2.0 * 0.5 ** 2)
UPDATE_RATE = 0.1
DECAY = 0.5
N_CONV = 3


def setup_inputs(seed: int = 0) -> dict:
    key = jax.random.key(seed)
    ks = jax.random.split(key, 10)
    x = jax.random.randint(ks[0], (B, N), 0, S)
    pos = jax.random.uniform(ks[1], (B, N, 3), minval=0.0, maxval=10.0)
    dist = jnp.sqrt(jnp.sum((pos[:, :, None, :] - pos[:, None, :, :]) ** 2, axis=-1) + 1e-9)
    emb = jax.random.normal(ks[2], (S, D)) * 0.1
    W1 = jax.random.normal(ks[3], (K, H)) / np.sqrt(K)
    b1 = jnp.zeros((H,))
    W2 = jax.random.normal(ks[4], (H, D)) / np.sqrt(H)
    b2 = jnp.zeros((D,))
    Wp1 = jax.random.normal(ks[5], (D, 64)) / np.sqrt(D)
    bp1 = jnp.zeros((64,))
    Wp2 = jax.random.normal(ks[6], (64, 1)) / np.sqrt(64)
    bp2 = jnp.zeros((1,))
    return {"x": x, "dist": dist, "emb": emb, "W1": W1, "b1": b1, "W2": W2, "b2": b2, "Wp1": Wp1, "bp1": bp1, "Wp2": Wp2, "bp2": bp2}


def reference(x, dist, emb, W1, b1, W2, b2, Wp1, bp1, Wp2, bp2):
    # MolecularEmbedding: species index -> learned embedding (gather)
    h = jnp.take(emb, x, axis=0)  # [B, N, D]
    # NodeConvolve: Gaussian RBF expansion of pairwise distances -> filter net
    rbf = jnp.exp(-GAMMA * (dist[..., None] - MU) ** 2)  # [B, N, N, K]
    filt = jnp.tanh(rbf @ W1 + b1) @ W2 + b2  # [B, N, N, D]
    mask = (1.0 - jnp.eye(N))[None, :, :, None]
    filt = filt * mask  # no self-interaction
    # n_convolutions iterations with geometrically decaying update rate
    for i in range(N_CONV):
        msg = jnp.einsum('bijd,bjd->bid', filt, h)  # continuous-filter conv
        h = h + UPDATE_RATE * (DECAY ** i) * msg
    # NodePool: per-node readout net, pooled sum is element [1] of (node_e, c)
    node_e = jnp.tanh(h @ Wp1 + bp1) @ Wp2 + bp2  # [B, N, 1]
    c = jnp.sum(node_e, axis=1)  # [B, 1]
    return c

if __name__ == "__main__":
    import jax
    _d = setup_inputs()
    print(jax.jit(kernel)(*tuple(_d.values())))

</pallas_src>

<mosaic_0001>
#map = affine_map<(d0, d1) -> (0, 0)>
#map1 = affine_map<(d0, d1) -> (0)>
module attributes {stable_mosaic.version = 14 : i64} {
  func.func @_sc_gather(%arg0: i32, %arg1: i32, %arg2: memref<100x128xf32, #tpu.memory_space<hbm>>, %arg3: memref<2048xi32, #tpu.memory_space<hbm>>, %arg4: memref<2048x128xf32, #tpu.memory_space<hbm>>, %arg5: memref<64xi32, #tpu.memory_space<vmem>>, %arg6: memref<64x128xf32, #tpu.memory_space<vmem>>, %arg7: memref<!tpu.dma_semaphore, #tpu.memory_space<semaphore_mem>>) attributes {dimension_semantics = [#tpu.dimension_semantics<core_parallel>, #tpu.dimension_semantics<subcore_parallel>], iteration_bounds = array<i64: 2, 16>, scalar_prefetch = 0 : i64, scratch_operands = 3 : i64, tpu.core_type = #tpu.core_type<sc_vector_subcore>, window_params = [{transform_indices = #map}, {transform_indices = #map1}, {transform_indices = #map}]} {
    %mul3A = arith.constant 2 : i32
    %mul3A_0 = arith.muli %arg1, %mul3A : i32
    %add3A = arith.addi %mul3A_0, %arg0 : i32
    %mul3A_1 = arith.constant 64 : i32
    %mul3A_2 = arith.muli %add3A, %mul3A_1 : i32
    "tpu.region"() ({
      %run_scoped3A = tpu.sem_alloc : memref<!tpu.dma_semaphore, #tpu.memory_space<semaphore_mem>>
      %dma_start3A_7 = tpu.memref_slice %arg3[%mul3A_2] : memref<2048xi32, #tpu.memory_space<hbm>> -> memref<64xi32, #tpu.memory_space<hbm>>
      %dma_start3A_8 = tpu.memref_slice %arg3[%mul3A_2] : memref<2048xi32, #tpu.memory_space<hbm>> -> memref<64xi32, #tpu.memory_space<hbm>>
      tpu.enqueue_dma source(%dma_start3A_8 : memref<64xi32, #tpu.memory_space<hbm>>) target(%arg5 : memref<64xi32, #tpu.memory_space<vmem>>) target_semaphore(%run_scoped3A : memref<!tpu.dma_semaphore, #tpu.memory_space<semaphore_mem>>)
      %dma_wait3A_9 = tpu.memref_slice %arg3[%mul3A_2] : memref<2048xi32, #tpu.memory_space<hbm>> -> memref<64xi32, #tpu.memory_space<hbm>>
      %dma_wait3A_10 = tpu.memref_slice %arg3[%mul3A_2] : memref<2048xi32, #tpu.memory_space<hbm>> -> memref<64xi32, #tpu.memory_space<hbm>>
      tpu.wait_dma2 semaphore(%run_scoped3A : memref<!tpu.dma_semaphore, #tpu.memory_space<semaphore_mem>>) src(%dma_wait3A_10 : memref<64xi32, #tpu.memory_space<hbm>>) dst(%arg5 : memref<64xi32, #tpu.memory_space<vmem>>)
      tpu.yield
    }) : () -> ()
    %dma_start3A = arith.constant 0 : i32
    %dma_start3A_3 = arith.constant 0 : i32
    %dma_start3A_4 = tpu.memref_slice %arg2[%dma_start3A, %dma_start3A_3] : memref<100x128xf32, #tpu.memory_space<hbm>> -> memref<100x128xf32, #tpu.memory_space<hbm>>
    tpu.enqueue_indirect_dma source(%dma_start3A_4 : memref<100x128xf32, #tpu.memory_space<hbm>>) target(%arg6 : memref<64x128xf32, #tpu.memory_space<vmem>>) offsets(%arg5 : memref<64xi32, #tpu.memory_space<vmem>>) semaphore(%arg7 : memref<!tpu.dma_semaphore, #tpu.memory_space<semaphore_mem>>)
    %dma_wait3A = arith.constant 0 : i32
    %dma_wait3A_5 = arith.constant 0 : i32
    %dma_wait3A_6 = tpu.memref_slice %arg2[%dma_wait3A, %dma_wait3A_5] : memref<100x128xf32, #tpu.memory_space<hbm>> -> memref<100x128xf32, #tpu.memory_space<hbm>>
    tpu.wait_indirect_dma semaphore(%arg7 : memref<!tpu.dma_semaphore, #tpu.memory_space<semaphore_mem>>) src(%dma_wait3A_6 : memref<100x128xf32, #tpu.memory_space<hbm>>) dst(%arg6 : memref<64x128xf32, #tpu.memory_space<vmem>>)
    "tpu.region"() ({
      %run_scoped3A = tpu.sem_alloc : memref<!tpu.dma_semaphore, #tpu.memory_space<semaphore_mem>>
      %dma_start3A_7 = arith.constant 0 : i32
      %dma_start3A_8 = tpu.memref_slice %arg4[%mul3A_2, %dma_start3A_7] : memref<2048x128xf32, #tpu.memory_space<hbm>> -> memref<64x128xf32, #tpu.memory_space<hbm>>
      %dma_start3A_9 = arith.constant 0 : i32
      %dma_start3A_10 = tpu.memref_slice %arg4[%mul3A_2, %dma_start3A_9] : memref<2048x128xf32, #tpu.memory_space<hbm>> -> memref<64x128xf32, #tpu.memory_space<hbm>>
      tpu.enqueue_dma source(%arg6 : memref<64x128xf32, #tpu.memory_space<vmem>>) target(%dma_start3A_10 : memref<64x128xf32, #tpu.memory_space<hbm>>) target_semaphore(%run_scoped3A : memref<!tpu.dma_semaphore, #tpu.memory_space<semaphore_mem>>)
      %dma_wait3A_11 = arith.constant 0 : i32
      %dma_wait3A_12 = tpu.memref_slice %arg4[%mul3A_2, %dma_wait3A_11] : memref<2048x128xf32, #tpu.memory_space<hbm>> -> memref<64x128xf32, #tpu.memory_space<hbm>>
      %dma_wait3A_13 = arith.constant 0 : i32
      %dma_wait3A_14 = tpu.memref_slice %arg4[%mul3A_2, %dma_wait3A_13] : memref<2048x128xf32, #tpu.memory_space<hbm>> -> memref<64x128xf32, #tpu.memory_space<hbm>>
      tpu.wait_dma2 semaphore(%run_scoped3A : memref<!tpu.dma_semaphore, #tpu.memory_space<semaphore_mem>>) src(%arg6 : memref<64x128xf32, #tpu.memory_space<vmem>>) dst(%dma_wait3A_14 : memref<64x128xf32, #tpu.memory_space<hbm>>)
      tpu.yield
    }) : () -> ()
    return
  }
}

module attributes {stable_mosaic.version = 14 : i64} {
  func.func @_body(%arg0: i32, %arg1: memref<16x64x128xf32, #tpu.memory_space<vmem>>, %arg2: memref<16x1x4096xf32, #tpu.memory_space<vmem>>, %arg3: memref<16x128xf32, #tpu.memory_space<vmem>>, %arg4: memref<1x128xf32, #tpu.memory_space<vmem>>, %arg5: memref<128x128xf32, #tpu.memory_space<vmem>>, %arg6: memref<1x128xf32, #tpu.memory_space<vmem>>, %arg7: memref<128x64xf32, #tpu.memory_space<vmem>>, %arg8: memref<1x64xf32, #tpu.memory_space<vmem>>, %arg9: memref<64x1xf32, #tpu.memory_space<vmem>>, %arg10: memref<1x1xf32, #tpu.memory_space<vmem>>, %arg11: memref<32x1xf32, #tpu.memory_space<vmem>>) attributes {dimension_semantics = [#tpu.dimension_semantics<arbitrary>], iteration_bounds = array<i64: 2>, scalar_prefetch = 0 : i64, scratch_operands = 0 : i64, tpu.core_type = #tpu.core_type<tc>, window_params = [{transform_indices = @transform_0, window_bounds = array<i64: 16, 64, 128>}, {transform_indices = @transform_1, window_bounds = array<i64: 16, 1, 4096>}, {pipeline_mode = #tpu.pipeline_mode<synchronous>, transform_indices = @transform_2, window_bounds = array<i64: 16, 128>}, {pipeline_mode = #tpu.pipeline_mode<synchronous>, transform_indices = @transform_3, window_bounds = array<i64: 1, 128>}, {pipeline_mode = #tpu.pipeline_mode<synchronous>, transform_indices = @transform_4, window_bounds = array<i64: 128, 128>}, {pipeline_mode = #tpu.pipeline_mode<synchronous>, transform_indices = @transform_5, window_bounds = array<i64: 1, 128>}, {pipeline_mode = #tpu.pipeline_mode<synchronous>, transform_indices = @transform_6, window_bounds = array<i64: 128, 64>}, {pipeline_mode = #tpu.pipeline_mode<synchronous>, transform_indices = @transform_7, window_bounds = array<i64: 1, 64>}, {pipeline_mode = #tpu.pipeline_mode<synchronous>, transform_indices = @transform_8, window_bounds = array<i64: 64, 1>}, {pipeline_mode = #tpu.pipeline_mode<synchronous>, transform_indices = @transform_9, window_bounds = array<i64: 1, 1>}, {pipeline_mode = #tpu.pipeline_mode<synchronous>, transform_indices = @transform_10, window_bounds = array<i64: 32, 1>}]} {
    %iota3A = tpu.iota {dimensions = array<i32: 0>} : vector<16x1xi32>
    %convert_element_type3A = arith.sitofp %iota3A : vector<16x1xi32> to vector<16x1xf32>
    %mul3A = arith.constant 8.000000e-01 : f32
    %mul3A_0 = vector.broadcast %mul3A : f32 to vector<16x1xf32>
    %mul3A_1 = arith.mulf %convert_element_type3A, %mul3A_0 : vector<16x1xf32>
    %iota3A_2 = tpu.iota {dimensions = array<i32: 0>} : vector<64x64x1xi32>
    %iota3A_3 = tpu.iota {dimensions = array<i32: 1>} : vector<64x64x1xi32>
    %ne3A = arith.cmpi ne, %iota3A_2, %iota3A_3 : vector<64x64x1xi32>
    %convert_element_type3A_4 = arith.extui %ne3A : vector<64x64x1xi1> to vector<64x64x1xi32>
    %convert_element_type3A_5 = arith.sitofp %convert_element_type3A_4 : vector<64x64x1xi32> to vector<64x64x1xf32>
    %get3A = arith.constant 0 : index
    %get3A_6 = arith.constant 0 : index
    %get3A_7 = vector.load %arg3[%get3A, %get3A_6] : memref<16x128xf32, #tpu.memory_space<vmem>>, vector<16x128xf32>
    %get3A_8 = arith.constant 0 : index
    %get3A_9 = arith.constant 0 : index
    %get3A_10 = vector.load %arg4[%get3A_8, %get3A_9] : memref<1x128xf32, #tpu.memory_space<vmem>>, vector<1x128xf32>
    %concatenate3A = tpu.concatenate %get3A_7, %get3A_10 in 0 : vector<16x128xf32>, vector<1x128xf32> -> vector<17x128xf32>
    %broadcast_in_dim3A = arith.constant 1.000000e+00 : f32
    %broadcast_in_dim3A_11 = vector.broadcast %broadcast_in_dim3A : f32 to vector<1x4096xf32>
    %get3A_12 = arith.constant 0 : index
    %get3A_13 = arith.constant 0 : index
    %get3A_14 = arith.constant 0 : index
    %get3A_15 = vector.load %arg2[%get3A_12, %get3A_13, %get3A_14] : memref<16x1x4096xf32, #tpu.memory_space<vmem>>, vector<1x1x4096xf32>
    %get3A_16 = vector.shape_cast %get3A_15 : vector<1x1x4096xf32> to vector<1x4096xf32>
    %sub3A = vector.broadcast %get3A_16 : vector<1x4096xf32> to vector<16x4096xf32>
    %sub3A_17 = vector.broadcast %mul3A_1 : vector<16x1xf32> to vector<16x4096xf32>
    %sub3A_18 = arith.subf %sub3A, %sub3A_17 : vector<16x4096xf32>
    %integer_pow3A = arith.mulf %sub3A_18, %sub3A_18 : vector<16x4096xf32>
    %mul3A_19 = arith.constant -2.000000e+00 : f32
    %mul3A_20 = vector.broadcast %mul3A_19 : f32 to vector<16x4096xf32>
    %mul3A_21 = arith.mulf %mul3A_20, %integer_pow3A : vector<16x4096xf32>
    %exp3A = math.exp %mul3A_21 : vector<16x4096xf32>
    %concatenate3A_22 = tpu.concatenate %exp3A, %broadcast_in_dim3A_11 in 0 : vector<16x4096xf32>, vector<1x4096xf32> -> vector<17x4096xf32>
    %dot_general3A = arith.constant dense<0.000000e+00> : vector<4096x128xf32>
    %dot_general3A_23 = tpu.matmul %concatenate3A_22, %concatenate3A, %dot_general3A {dimension_numbers = #tpu.dot_dimension_numbers<[0], [0], [1], [1], [0, 1, 1, 1], [], []>, transpose_lhs_hint = false} : vector<17x4096xf32>, vector<17x128xf32>, vector<4096x128xf32> -> vector<4096x128xf32>
    %tanh3A = math.tanh %dot_general3A_23 : vector<4096x128xf32>
    %get3A_24 = arith.constant 0 : index
    %get3A_25 = arith.constant 0 : index
    %get3A_26 = vector.load %arg5[%get3A_24, %get3A_25] : memref<128x128xf32, #tpu.memory_space<vmem>>, vector<128x128xf32>
    %dot_general3A_27 = arith.constant dense<0.000000e+00> : vector<4096x128xf32>
    %dot_general3A_28 = tpu.matmul %tanh3A, %get3A_26, %dot_general3A_27 {dimension_numbers = #tpu.dot_dimension_numbers<[1], [0], [0], [1], [0, 0, 1, 1], [], []>, transpose_lhs_hint = false} : vector<4096x128xf32>, vector<128x128xf32>, vector<4096x128xf32> -> vector<4096x128xf32>
    %get3A_29 = arith.constant 0 : index
    %get3A_30 = arith.constant 0 : index
    %get3A_31 = vector.load %arg6[%get3A_29, %get3A_30] : memref<1x128xf32, #tpu.memory_space<vmem>>, vector<1x128xf32>
    %add3A = vector.broadcast %get3A_31 : vector<1x128xf32> to vector<4096x128xf32>
    %add3A_32 = arith.addf %dot_general3A_28, %add3A : vector<4096x128xf32>
    %reshape3A = vector.shape_cast %add3A_32 : vector<4096x128xf32> to vector<64x64x128xf32>
    %mul3A_33 = vector.broadcast %convert_element_type3A_5 : vector<64x64x1xf32> to vector<64x64x128xf32>
    %mul3A_34 = arith.mulf %reshape3A, %mul3A_33 : vector<64x64x128xf32>
    %get3A_35 = arith.constant 0 : index
    %get3A_36 = arith.constant 0 : index
    %get3A_37 = arith.constant 0 : index
    %get3A_38 = vector.load %arg1[%get3A_35, %get3A_36, %get3A_37] : memref<16x64x128xf32, #tpu.memory_space<vmem>>, vector<1x64x128xf32>
    %get3A_39 = vector.shape_cast %get3A_38 : vector<1x64x128xf32> to vector<64x128xf32>
    %broadcast_in_dim3A_40 = vector.shape_cast %get3A_39 : vector<64x128xf32> to vector<64x1x128xf32>
    %mul3A_41 = vector.broadcast %broadcast_in_dim3A_40 : vector<64x1x128xf32> to vector<64x64x128xf32>
    %mul3A_42 = arith.mulf %mul3A_34, %mul3A_41 : vector<64x64x128xf32>
    %reduce_sum3A = arith.constant dense<0.000000e+00> : vector<64x128xf32>
    %reduce_sum3A_43 = vector.multi_reduction <add>, %mul3A_42, %reduce_sum3A [0] : vector<64x64x128xf32> to vector<64x128xf32>
    %mul3A_44 = arith.constant 1.000000e-01 : f32
    %mul3A_45 = vector.broadcast %mul3A_44 : f32 to vector<64x128xf32>
    %mul3A_46 = arith.mulf %mul3A_45, %reduce_sum3A_43 : vector<64x128xf32>
    %add3A_47 = arith.addf %get3A_39, %mul3A_46 : vector<64x128xf32>
    %broadcast_in_dim3A_48 = vector.shape_cast %add3A_47 : vector<64x128xf32> to vector<64x1x128xf32>
    %mul3A_49 = vector.broadcast %broadcast_in_dim3A_48 : vector<64x1x128xf32> to vector<64x64x128xf32>
    %mul3A_50 = arith.mulf %mul3A_34, %mul3A_49 : vector<64x64x128xf32>
    %reduce_sum3A_51 = arith.constant dense<0.000000e+00> : vector<64x128xf32>
    %reduce_sum3A_52 = vector.multi_reduction <add>, %mul3A_50, %reduce_sum3A_51 [0] : vector<64x64x128xf32> to vector<64x128xf32>
    %mul3A_53 = arith.constant 5.000000e-02 : f32
    %mul3A_54 = vector.broadcast %mul3A_53 : f32 to vector<64x128xf32>
    %mul3A_55 = arith.mulf %mul3A_54, %reduce_sum3A_52 : vector<64x128xf32>
    %add3A_56 = arith.addf %add3A_47, %mul3A_55 : vector<64x128xf32>
    %broadcast_in_dim3A_57 = vector.shape_cast %add3A_56 : vector<64x128xf32> to vector<64x1x128xf32>
    %mul3A_58 = vector.broadcast %broadcast_in_dim3A_57 : vector<64x1x128xf32> to vector<64x64x128xf32>
    %mul3A_59 = arith.mulf %mul3A_34, %mul3A_58 : vector<64x64x128xf32>
    %reduce_sum3A_60 = arith.constant dense<0.000000e+00> : vector<64x128xf32>
    %reduce_sum3A_61 = vector.multi_reduction <add>, %mul3A_59, %reduce_sum3A_60 [0] : vector<64x64x128xf32> to vector<64x128xf32>
    %mul3A_62 = arith.constant 2.500000e-02 : f32
    %mul3A_63 = vector.broadcast %mul3A_62 : f32 to vector<64x128xf32>
    %mul3A_64 = arith.mulf %mul3A_63, %reduce_sum3A_61 : vector<64x128xf32>
    %add3A_65 = arith.addf %add3A_56, %mul3A_64 : vector<64x128xf32>
    %get3A_66 = arith.constant 0 : index
    %get3A_67 = arith.constant 0 : index
    %get3A_68 = vector.load %arg7[%get3A_66, %get3A_67] : memref<128x64xf32, #tpu.memory_space<vmem>>, vector<128x64xf32>
    %dot_general3A_69 = arith.constant dense<0.000000e+00> : vector<64x64xf32>
    %dot_general3A_70 = tpu.matmul %add3A_65, %get3A_68, %dot_general3A_69 {dimension_numbers = #tpu.dot_dimension_numbers<[1], [0], [0], [1], [0, 0, 1, 1], [], []>, transpose_lhs_hint = false} : vector<64x128xf32>, vector<128x64xf32>, vector<64x64xf32> -> vector<64x64xf32>
    %get3A_71 = arith.constant 0 : index
    %get3A_72 = arith.constant 0 : index
    %get3A_73 = vector.load %arg8[%get3A_71, %get3A_72] : memref<1x64xf32, #tpu.memory_space<vmem>>, vector<1x64xf32>
    %add3A_74 = vector.broadcast %get3A_73 : vector<1x64xf32> to vector<64x64xf32>
    %add3A_75 = arith.addf %dot_general3A_70, %add3A_74 : vector<64x64xf32>
    %tanh3A_76 = math.tanh %add3A_75 : vector<64x64xf32>
    %get3A_77 = arith.constant 0 : index
    %get3A_78 = arith.constant 0 : index
    %get3A_79 = vector.load %arg9[%get3A_77, %get3A_78] : memref<64x1xf32, #tpu.memory_space<vmem>>, vector<64x1xf32>
    %dot_general3A_80 = arith.constant dense<0.000000e+00> : vector<64x1xf32>
    %dot_general3A_81 = tpu.matmul %tanh3A_76, %get3A_79, %dot_general3A_80 {dimension_numbers = #tpu.dot_dimension_numbers<[1], [0], [0], [1], [0, 0, 1, 1], [], []>, transpose_lhs_hint = false} : vector<64x64xf32>, vector<64x1xf32>, vector<64x1xf32> -> vector<64x1xf32>
    %get3A_82 = arith.constant 0 : index
    %get3A_83 = arith.constant 0 : index
    %get3A_84 = vector.load %arg10[%get3A_82, %get3A_83] : memref<1x1xf32, #tpu.memory_space<vmem>>, vector<1x1xf32>
    %add3A_85 = vector.broadcast %get3A_84 : vector<1x1xf32> to vector<64x1xf32>
    %add3A_86 = arith.addf %dot_general3A_81, %add3A_85 : vector<64x1xf32>
    %mul3A_87 = arith.constant 16 : i32
    %mul3A_88 = arith.muli %mul3A_87, %arg0 : i32
    %add3A_89 = arith.constant 0 : i32
    %add3A_90 = arith.addi %mul3A_88, %add3A_89 : i32
    %reduce_sum3A_91 = arith.constant dense<0.000000e+00> : vector<1xf32>
    %reduce_sum3A_92 = vector.multi_reduction <add>, %add3A_86, %reduce_sum3A_91 [0] : vector<64x1xf32> to vector<1xf32>
    %broadcast_in_dim3A_93 = vector.shape_cast %reduce_sum3A_92 : vector<1xf32> to vector<1x1xf32>
    %swap3A = arith.index_cast %add3A_90 : i32 to index
    %swap3A_94 = arith.constant 0 : index
    %swap3A_95 = vector.load %arg11[%swap3A, %swap3A_94] : memref<32x1xf32, #tpu.memory_space<vmem>>, vector<1x1xf32>
    tpu.vector_store %arg11[%swap3A, %swap3A_94], %broadcast_in_dim3A_93 {strides = array<i32>} : memref<32x1xf32, #tpu.memory_space<vmem>>, vector<1x1xf32>,
    %get3A_96 = arith.constant 1 : index
    %get3A_97 = arith.constant 0 : index
    %get3A_98 = arith.constant 0 : index
    %get3A_99 = vector.load %arg2[%get3A_96, %get3A_97, %get3A_98] : memref<16x1x4096xf32, #tpu.memory_space<vmem>>, vector<1x1x4096xf32>
    %get3A_100 = vector.shape_cast %get3A_99 : vector<1x1x4096xf32> to vector<1x4096xf32>
    %sub3A_101 = vector.broadcast %get3A_100 : vector<1x4096xf32> to vector<16x4096xf32>
    %sub3A_102 = vector.broadcast %mul3A_1 : vector<16x1xf32> to vector<16x4096xf32>
    %sub3A_103 = arith.subf %sub3A_101, %sub3A_102 : vector<16x4096xf32>
    %integer_pow3A_104 = arith.mulf %sub3A_103, %sub3A_103 : vector<16x4096xf32>
    %mul3A_105 = arith.constant -2.000000e+00 : f32
    %mul3A_106 = vector.broadcast %mul3A_105 : f32 to vector<16x4096xf32>
    %mul3A_107 = arith.mulf %mul3A_106, %integer_pow3A_104 : vector<16x4096xf32>
    %exp3A_108 = math.exp %mul3A_107 : vector<16x4096xf32>
    %concatenate3A_109 = tpu.concatenate %exp3A_108, %broadcast_in_dim3A_11 in 0 : vector<16x4096xf32>, vector<1x4096xf32> -> vector<17x4096xf32>
    %dot_general3A_110 = arith.constant dense<0.000000e+00> : vector<4096x128xf32>
    %dot_general3A_111 = tpu.matmul %concatenate3A_109, %concatenate3A, %dot_general3A_110 {dimension_numbers = #tpu.dot_dimension_numbers<[0], [0], [1], [1], [0, 1, 1, 1], [], []>, transpose_lhs_hint = false} : vector<17x4096xf32>, vector<17x128xf32>, vector<4096x128xf32> -> vector<4096x128xf32>
    %tanh3A_112 = math.tanh %dot_general3A_111 : vector<4096x128xf32>
    %get3A_113 = arith.constant 0 : index
    %get3A_114 = arith.constant 0 : index
    %get3A_115 = vector.load %arg5[%get3A_113, %get3A_114] : memref<128x128xf32, #tpu.memory_space<vmem>>, vector<128x128xf32>
    %dot_general3A_116 = arith.constant dense<0.000000e+00> : vector<4096x128xf32>
    %dot_general3A_117 = tpu.matmul %tanh3A_112, %get3A_115, %dot_general3A_116 {dimension_numbers = #tpu.dot_dimension_numbers<[1], [0], [0], [1], [0, 0, 1, 1], [], []>, transpose_lhs_hint = false} : vector<4096x128xf32>, vector<128x128xf32>, vector<4096x128xf32> -> vector<4096x128xf32>
    %get3A_118 = arith.constant 0 : index
    %get3A_119 = arith.constant 0 : index
    %get3A_120 = vector.load %arg6[%get3A_118, %get3A_119] : memref<1x128xf32, #tpu.memory_space<vmem>>, vector<1x128xf32>
    %add3A_121 = vector.broadcast %get3A_120 : vector<1x128xf32> to vector<4096x128xf32>
    %add3A_122 = arith.addf %dot_general3A_117, %add3A_121 : vector<4096x128xf32>
    %reshape3A_123 = vector.shape_cast %add3A_122 : vector<4096x128xf32> to vector<64x64x128xf32>
    %mul3A_124 = vector.broadcast %convert_element_type3A_5 : vector<64x64x1xf32> to vector<64x64x128xf32>
    %mul3A_125 = arith.mulf %reshape3A_123, %mul3A_124 : vector<64x64x128xf32>
    %get3A_126 = arith.constant 1 : index
    %get3A_127 = arith.constant 0 : index
    %get3A_128 = arith.constant 0 : index
    %get3A_129 = vector.load %arg1[%get3A_126, %get3A_127, %get3A_128] : memref<16x64x128xf32, #tpu.memory_space<vmem>>, vector<1x64x128xf32>
    %get3A_130 = vector.shape_cast %get3A_129 : vector<1x64x128xf32> to vector<64x128xf32>
    %broadcast_in_dim3A_131 = vector.shape_cast %get3A_130 : vector<64x128xf32> to vector<64x1x128xf32>
    %mul3A_132 = vector.broadcast %broadcast_in_dim3A_131 : vector<64x1x128xf32> to vector<64x64x128xf32>
    %mul3A_133 = arith.mulf %mul3A_125, %mul3A_132 : vector<64x64x128xf32>
    %reduce_sum3A_134 = arith.constant dense<0.000000e+00> : vector<64x128xf32>
    %reduce_sum3A_135 = vector.multi_reduction <add>, %mul3A_133, %reduce_sum3A_134 [0] : vector<64x64x128xf32> to vector<64x128xf32>
    %mul3A_136 = arith.constant 1.000000e-01 : f32
    %mul3A_137 = vector.broadcast %mul3A_136 : f32 to vector<64x128xf32>
    %mul3A_138 = arith.mulf %mul3A_137, %reduce_sum3A_135 : vector<64x128xf32>
    %add3A_139 = arith.addf %get3A_130, %mul3A_138 : vector<64x128xf32>
    %broadcast_in_dim3A_140 = vector.shape_cast %add3A_139 : vector<64x128xf32> to vector<64x1x128xf32>
    %mul3A_141 = vector.broadcast %broadcast_in_dim3A_140 : vector<64x1x128xf32> to vector<64x64x128xf32>
    %mul3A_142 = arith.mulf %mul3A_125, %mul3A_141 : vector<64x64x128xf32>
    %reduce_sum3A_143 = arith.constant dense<0.000000e+00> : vector<64x128xf32>
    %reduce_sum3A_144 = vector.multi_reduction <add>, %mul3A_142, %reduce_sum3A_143 [0] : vector<64x64x128xf32> to vector<64x128xf32>
    %mul3A_145 = arith.constant 5.000000e-02 : f32
    %mul3A_146 = vector.broadcast %mul3A_145 : f32 to vector<64x128xf32>
    %mul3A_147 = arith.mulf %mul3A_146, %reduce_sum3A_144 : vector<64x128xf32>
    %add3A_148 = arith.addf %add3A_139, %mul3A_147 : vector<64x128xf32>
    %broadcast_in_dim3A_149 = vector.shape_cast %add3A_148 : vector<64x128xf32> to vector<64x1x128xf32>
    %mul3A_150 = vector.broadcast %broadcast_in_dim3A_149 : vector<64x1x128xf32> to vector<64x64x128xf32>
    %mul3A_151 = arith.mulf %mul3A_125, %mul3A_150 : vector<64x64x128xf32>
    %reduce_sum3A_152 = arith.constant dense<0.000000e+00> : vector<64x128xf32>
    %reduce_sum3A_153 = vector.multi_reduction <add>, %mul3A_151, %reduce_sum3A_152 [0] : vector<64x64x128xf32> to vector<64x128xf32>
    %mul3A_154 = arith.constant 2.500000e-02 : f32
    %mul3A_155 = vector.broadcast %mul3A_154 : f32 to vector<64x128xf32>
    %mul3A_156 = arith.mulf %mul3A_155, %reduce_sum3A_153 : vector<64x128xf32>
    %add3A_157 = arith.addf %add3A_148, %mul3A_156 : vector<64x128xf32>
    %get3A_158 = arith.constant 0 : index
    %get3A_159 = arith.constant 0 : index
    %get3A_160 = vector.load %arg7[%get3A_158, %get3A_159] : memref<128x64xf32, #tpu.memory_space<vmem>>, vector<128x64xf32>
    %dot_general3A_161 = arith.constant dense<0.000000e+00> : vector<64x64xf32>
    %dot_general3A_162 = tpu.matmul %add3A_157, %get3A_160, %dot_general3A_161 {dimension_numbers = #tpu.dot_dimension_numbers<[1], [0], [0], [1], [0, 0, 1, 1], [], []>, transpose_lhs_hint = false} : vector<64x128xf32>, vector<128x64xf32>, vector<64x64xf32> -> vector<64x64xf32>
    %get3A_163 = arith.constant 0 : index
    %get3A_164 = arith.constant 0 : index
    %get3A_165 = vector.load %arg8[%get3A_163, %get3A_164] : memref<1x64xf32, #tpu.memory_space<vmem>>, vector<1x64xf32>
    %add3A_166 = vector.broadcast %get3A_165 : vector<1x64xf32> to vector<64x64xf32>
    %add3A_167 = arith.addf %dot_general3A_162, %add3A_166 : vector<64x64xf32>
    %tanh3A_168 = math.tanh %add3A_167 : vector<64x64xf32>
    %get3A_169 = arith.constant 0 : index
    %get3A_170 = arith.constant 0 : index
    %get3A_171 = vector.load %arg9[%get3A_169, %get3A_170] : memref<64x1xf32, #tpu.memory_space<vmem>>, vector<64x1xf32>
    %dot_general3A_172 = arith.constant dense<0.000000e+00> : vector<64x1xf32>
    %dot_general3A_173 = tpu.matmul %tanh3A_168, %get3A_171, %dot_general3A_172 {dimension_numbers = #tpu.dot_dimension_numbers<[1], [0], [0], [1], [0, 0, 1, 1], [], []>, transpose_lhs_hint = false} : vector<64x64xf32>, vector<64x1xf32>, vector<64x1xf32> -> vector<64x1xf32>
    %get3A_174 = arith.constant 0 : index
    %get3A_175 = arith.constant 0 : index
    %get3A_176 = vector.load %arg10[%get3A_174, %get3A_175] : memref<1x1xf32, #tpu.memory_space<vmem>>, vector<1x1xf32>
    %add3A_177 = vector.broadcast %get3A_176 : vector<1x1xf32> to vector<64x1xf32>
    %add3A_178 = arith.addf %dot_general3A_173, %add3A_177 : vector<64x1xf32>
    %mul3A_179 = arith.constant 16 : i32
    %mul3A_180 = arith.muli %mul3A_179, %arg0 : i32
    %add3A_181 = arith.constant 1 : i32
    %add3A_182 = arith.addi %mul3A_180, %add3A_181 : i32
    %reduce_sum3A_183 = arith.constant dense<0.000000e+00> : vector<1xf32>
    %reduce_sum3A_184 = vector.multi_reduction <add>, %add3A_178, %reduce_sum3A_183 [0] : vector<64x1xf32> to vector<1xf32>
    %broadcast_in_dim3A_185 = vector.shape_cast %reduce_sum3A_184 : vector<1xf32> to vector<1x1xf32>
    %swap3A_186 = arith.index_cast %add3A_182 : i32 to index
    %swap3A_187 = arith.constant 0 : index
    %swap3A_188 = vector.load %arg11[%swap3A_186, %swap3A_187] : memref<32x1xf32, #tpu.memory_space<vmem>>, vector<1x1xf32>
    tpu.vector_store %arg11[%swap3A_186, %swap3A_187], %broadcast_in_dim3A_185 {strides = array<i32>} : memref<32x1xf32, #tpu.memory_space<vmem>>, vector<1x1xf32>,
    %get3A_189 = arith.constant 2 : index
    %get3A_190 = arith.constant 0 : index
    %get3A_191 = arith.constant 0 : index
    %get3A_192 = vector.load %arg2[%get3A_189, %get3A_190, %get3A_191] : memref<16x1x4096xf32, #tpu.memory_space<vmem>>, vector<1x1x4096xf32>
    %get3A_193 = vector.shape_cast %get3A_192 : vector<1x1x4096xf32> to vector<1x4096xf32>
    %sub3A_194 = vector.broadcast %get3A_193 : vector<1x4096xf32> to vector<16x4096xf32>
    %sub3A_195 = vector.broadcast %mul3A_1 : vector<16x1xf32> to vector<16x4096xf32>
    %sub3A_196 = arith.subf %sub3A_194, %sub3A_195 : vector<16x4096xf32>
    %integer_pow3A_197 = arith.mulf %sub3A_196, %sub3A_196 : vector<16x4096xf32>
    %mul3A_198 = arith.constant -2.000000e+00 : f32
    %mul3A_199 = vector.broadcast %mul3A_198 : f32 to vector<16x4096xf32>
    %mul3A_200 = arith.mulf %mul3A_199, %integer_pow3A_197 : vector<16x4096xf32>
    %exp3A_201 = math.exp %mul3A_200 : vector<16x4096xf32>
    %concatenate3A_202 = tpu.concatenate %exp3A_201, %broadcast_in_dim3A_11 in 0 : vector<16x4096xf32>, vector<1x4096xf32> -> vector<17x4096xf32>
    %dot_general3A_203 = arith.constant dense<0.000000e+00> : vector<4096x128xf32>
    %dot_general3A_204 = tpu.matmul %concatenate3A_202, %concatenate3A, %dot_general3A_203 {dimension_numbers = #tpu.dot_dimension_numbers<[0], [0], [1], [1], [0, 1, 1, 1], [], []>, transpose_lhs_hint = false} : vector<17x4096xf32>, vector<17x128xf32>, vector<4096x128xf32> -> vector<4096x128xf32>
    %tanh3A_205 = math.tanh %dot_general3A_204 : vector<4096x128xf32>
    %get3A_206 = arith.constant 0 : index
    %get3A_207 = arith.constant 0 : index
    %get3A_208 = vector.load %arg5[%get3A_206, %get3A_207] : memref<128x128xf32, #tpu.memory_space<vmem>>, vector<128x128xf32>
    %dot_general3A_209 = arith.constant dense<0.000000e+00> : vector<4096x128xf32>
    %dot_general3A_210 = tpu.matmul %tanh3A_205, %get3A_208, %dot_general3A_209 {dimension_numbers = #tpu.dot_dimension_numbers<[1], [0], [0], [1], [0, 0, 1, 1], [], []>, transpose_lhs_hint = false} : vector<4096x128xf32>, vector<128x128xf32>, vector<4096x128xf32> -> vector<4096x128xf32>
    %get3A_211 = arith.constant 0 : index
    %get3A_212 = arith.constant 0 : index
    %get3A_213 = vector.load %arg6[%get3A_211, %get3A_212] : memref<1x128xf32, #tpu.memory_space<vmem>>, vector<1x128xf32>
    %add3A_214 = vector.broadcast %get3A_213 : vector<1x128xf32> to vector<4096x128xf32>
    %add3A_215 = arith.addf %dot_general3A_210, %add3A_214 : vector<4096x128xf32>
    %reshape3A_216 = vector.shape_cast %add3A_215 : vector<4096x128xf32> to vector<64x64x128xf32>
    %mul3A_217 = vector.broadcast %convert_element_type3A_5 : vector<64x64x1xf32> to vector<64x64x128xf32>
    %mul3A_218 = arith.mulf %reshape3A_216, %mul3A_217 : vector<64x64x128xf32>
    %get3A_219 = arith.constant 2 : index
    %get3A_220 = arith.constant 0 : index
    %get3A_221 = arith.constant 0 : index
    %get3A_222 = vector.load %arg1[%get3A_219, %get3A_220, %get3A_221] : memref<16x64x128xf32, #tpu.memory_space<vmem>>, vector<1x64x128xf32>
    %get3A_223 = vector.shape_cast %get3A_222 : vector<1x64x128xf32> to vector<64x128xf32>
    %broadcast_in_dim3A_224 = vector.shape_cast %get3A_223 : vector<64x128xf32> to vector<64x1x128xf32>
    %mul3A_225 = vector.broadcast %broadcast_in_dim3A_224 : vector<64x1x128xf32> to vector<64x64x128xf32>
    %mul3A_226 = arith.mulf %mul3A_218, %mul3A_225 : vector<64x64x128xf32>
    %reduce_sum3A_227 = arith.constant dense<0.000000e+00> : vector<64x128xf32>
    %reduce_sum3A_228 = vector.multi_reduction <add>, %mul3A_226, %reduce_sum3A_227 [0] : vector<64x64x128xf32> to vector<64x128xf32>
    %mul3A_229 = arith.constant 1.000000e-01 : f32
    %mul3A_230 = vector.broadcast %mul3A_229 : f32 to vector<64x128xf32>
    %mul3A_231 = arith.mulf %mul3A_230, %reduce_sum3A_228 : vector<64x128xf32>
    %add3A_232 = arith.addf %get3A_223, %mul3A_231 : vector<64x128xf32>
    %broadcast_in_dim3A_233 = vector.shape_cast %add3A_232 : vector<64x128xf32> to vector<64x1x128xf32>
    %mul3A_234 = vector.broadcast %broadcast_in_dim3A_233 : vector<64x1x128xf32> to vector<64x64x128xf32>
    %mul3A_235 = arith.mulf %mul3A_218, %mul3A_234 : vector<64x64x128xf32>
    %reduce_sum3A_236 = arith.constant dense<0.000000e+00> : vector<64x128xf32>
    %reduce_sum3A_237 = vector.multi_reduction <add>, %mul3A_235, %reduce_sum3A_236 [0] : vector<64x64x128xf32> to vector<64x128xf32>
    %mul3A_238 = arith.constant 5.000000e-02 : f32
    %mul3A_239 = vector.broadcast %mul3A_238 : f32 to vector<64x128xf32>
    %mul3A_240 = arith.mulf %mul3A_239, %reduce_sum3A_237 : vector<64x128xf32>
    %add3A_241 = arith.addf %add3A_232, %mul3A_240 : vector<64x128xf32>
    %broadcast_in_dim3A_242 = vector.shape_cast %add3A_241 : vector<64x128xf32> to vector<64x1x128xf32>
    %mul3A_243 = vector.broadcast %broadcast_in_dim3A_242 : vector<64x1x128xf32> to vector<64x64x128xf32>
    %mul3A_244 = arith.mulf %mul3A_218, %mul3A_243 : vector<64x64x128xf32>
    %reduce_sum3A_245 = arith.constant dense<0.000000e+00> : vector<64x128xf32>
    %reduce_sum3A_246 = vector.multi_reduction <add>, %mul3A_244, %reduce_sum3A_245 [0] : vector<64x64x128xf32> to vector<64x128xf32>
    %mul3A_247 = arith.constant 2.500000e-02 : f32
    %mul3A_248 = vector.broadcast %mul3A_247 : f32 to vector<64x128xf32>
    %mul3A_249 = arith.mulf %mul3A_248, %reduce_sum3A_246 : vector<64x128xf32>
    %add3A_250 = arith.addf %add3A_241, %mul3A_249 : vector<64x128xf32>
    %get3A_251 = arith.constant 0 : index
    %get3A_252 = arith.constant 0 : index
    %get3A_253 = vector.load %arg7[%get3A_251, %get3A_252] : memref<128x64xf32, #tpu.memory_space<vmem>>, vector<128x64xf32>
    %dot_general3A_254 = arith.constant dense<0.000000e+00> : vector<64x64xf32>
    %dot_general3A_255 = tpu.matmul %add3A_250, %get3A_253, %dot_general3A_254 {dimension_numbers = #tpu.dot_dimension_numbers<[1], [0], [0], [1], [0, 0, 1, 1], [], []>, transpose_lhs_hint = false} : vector<64x128xf32>, vector<128x64xf32>, vector<64x64xf32> -> vector<64x64xf32>
    %get3A_256 = arith.constant 0 : index
    %get3A_257 = arith.constant 0 : index
    %get3A_258 = vector.load %arg8[%get3A_256, %get3A_257] : memref<1x64xf32, #tpu.memory_space<vmem>>, vector<1x64xf32>
    %add3A_259 = vector.broadcast %get3A_258 : vector<1x64xf32> to vector<64x64xf32>
    %add3A_260 = arith.addf %dot_general3A_255, %add3A_259 : vector<64x64xf32>
    %tanh3A_261 = math.tanh %add3A_260 : vector<64x64xf32>
    %get3A_262 = arith.constant 0 : index
    %get3A_263 = arith.constant 0 : index
    %get3A_264 = vector.load %arg9[%get3A_262, %get3A_263] : memref<64x1xf32, #tpu.memory_space<vmem>>, vector<64x1xf32>
    %dot_general3A_265 = arith.constant dense<0.000000e+00> : vector<64x1xf32>
    %dot_general3A_266 = tpu.matmul %tanh3A_261, %get3A_264, %dot_general3A_265 {dimension_numbers = #tpu.dot_dimension_numbers<[1], [0], [0], [1], [0, 0, 1, 1], [], []>, transpose_lhs_hint = false} : vector<64x64xf32>, vector<64x1xf32>, vector<64x1xf32> -> vector<64x1xf32>
    %get3A_267 = arith.constant 0 : index
    %get3A_268 = arith.constant 0 : index
    %get3A_269 = vector.load %arg10[%get3A_267, %get3A_268] : memref<1x1xf32, #tpu.memory_space<vmem>>, vector<1x1xf32>
    %add3A_270 = vector.broadcast %get3A_269 : vector<1x1xf32> to vector<64x1xf32>
    %add3A_271 = arith.addf %dot_general3A_266, %add3A_270 : vector<64x1xf32>
    %mul3A_272 = arith.constant 16 : i32
    %mul3A_273 = arith.muli %mul3A_272, %arg0 : i32
    %add3A_274 = arith.constant 2 : i32
    %add3A_275 = arith.addi %mul3A_273, %add3A_274 : i32
    %reduce_sum3A_276 = arith.constant dense<0.000000e+00> : vector<1xf32>
    %reduce_sum3A_277 = vector.multi_reduction <add>, %add3A_271, %reduce_sum3A_276 [0] : vector<64x1xf32> to vector<1xf32>
    %broadcast_in_dim3A_278 = vector.shape_cast %reduce_sum3A_277 : vector<1xf32> to vector<1x1xf32>
    %swap3A_279 = arith.index_cast %add3A_275 : i32 to index
    %swap3A_280 = arith.constant 0 : index
    %swap3A_281 = vector.load %arg11[%swap3A_279, %swap3A_280] : memref<32x1xf32, #tpu.memory_space<vmem>>, vector<1x1xf32>
    tpu.vector_store %arg11[%swap3A_279, %swap3A_280], %broadcast_in_dim3A_278 {strides = array<i32>} : memref<32x1xf32, #tpu.memory_space<vmem>>, vector<1x1xf32>,
    %get3A_282 = arith.constant 3 : index
    %get3A_283 = arith.constant 0 : index
    %get3A_284 = arith.constant 0 : index
    %get3A_285 = vector.load %arg2[%get3A_282, %get3A_283, %get3A_284] : memref<16x1x4096xf32, #tpu.memory_space<vmem>>, vector<1x1x4096xf32>
    %get3A_286 = vector.shape_cast %get3A_285 : vector<1x1x4096xf32> to vector<1x4096xf32>
    %sub3A_287 = vector.broadcast %get3A_286 : vector<1x4096xf32> to vector<16x4096xf32>
    %sub3A_288 = vector.broadcast %mul3A_1 : vector<16x1xf32> to vector<16x4096xf32>
    %sub3A_289 = arith.subf %sub3A_287, %sub3A_288 : vector<16x4096xf32>
    %integer_pow3A_290 = arith.mulf %sub3A_289, %sub3A_289 : vector<16x4096xf32>
    %mul3A_291 = arith.constant -2.000000e+00 : f32
    %mul3A_292 = vector.broadcast %mul3A_291 : f32 to vector<16x4096xf32>
    %mul3A_293 = arith.mulf %mul3A_292, %integer_pow3A_290 : vector<16x4096xf32>
    %exp3A_294 = math.exp %mul3A_293 : vector<16x4096xf32>
    %concatenate3A_295 = tpu.concatenate %exp3A_294, %broadcast_in_dim3A_11 in 0 : vector<16x4096xf32>, vector<1x4096xf32> -> vector<17x4096xf32>
    %dot_general3A_296 = arith.constant dense<0.000000e+00> : vector<4096x128xf32>
    %dot_general3A_297 = tpu.matmul %concatenate3A_295, %concatenate3A, %dot_general3A_296 {dimension_numbers = #tpu.dot_dimension_numbers<[0], [0], [1], [1], [0, 1, 1, 1], [], []>, transpose_lhs_hint = false} : vector<17x4096xf32>, vector<17x128xf32>, vector<4096x128xf32> -> vector<4096x128xf32>
    %tanh3A_298 = math.tanh %dot_general3A_297 : vector<4096x128xf32>
    %get3A_299 = arith.constant 0 : index
    %get3A_300 = arith.constant 0 : index
    %get3A_301 = vector.load %arg5[%get3A_299, %get3A_300] : memref<128x128xf32, #tpu.memory_space<vmem>>, vector<128x128xf32>
    %dot_general3A_302 = arith.constant dense<0.000000e+00> : vector<4096x128xf32>
    %dot_general3A_303 = tpu.matmul %tanh3A_298, %get3A_301, %dot_general3A_302 {dimension_numbers = #tpu.dot_dimension_numbers<[1], [0], [0], [1], [0, 0, 1, 1], [], []>, transpose_lhs_hint = false} : vector<4096x128xf32>, vector<128x128xf32>, vector<4096x128xf32> -> vector<4096x128xf32>
    %get3A_304 = arith.constant 0 : index
    %get3A_305 = arith.constant 0 : index
    %get3A_306 = vector.load %arg6[%get3A_304, %get3A_305] : memref<1x128xf32, #tpu.memory_space<vmem>>, vector<1x128xf32>
    %add3A_307 = vector.broadcast %get3A_306 : vector<1x128xf32> to vector<4096x128xf32>
    %add3A_308 = arith.addf %dot_general3A_303, %add3A_307 : vector<4096x128xf32>
    %reshape3A_309 = vector.shape_cast %add3A_308 : vector<4096x128xf32> to vector<64x64x128xf32>
    %mul3A_310 = vector.broadcast %convert_element_type3A_5 : vector<64x64x1xf32> to vector<64x64x128xf32>
    %mul3A_311 = arith.mulf %reshape3A_309, %mul3A_310 : vector<64x64x128xf32>
    %get3A_312 = arith.constant 3 : index
    %get3A_313 = arith.constant 0 : index
    %get3A_314 = arith.constant 0 : index
    %get3A_315 = vector.load %arg1[%get3A_312, %get3A_313, %get3A_314] : memref<16x64x128xf32, #tpu.memory_space<vmem>>, vector<1x64x128xf32>
    %get3A_316 = vector.shape_cast %get3A_315 : vector<1x64x128xf32> to vector<64x128xf32>
    %broadcast_in_dim3A_317 = vector.shape_cast %get3A_316 : vector<64x128xf32> to vector<64x1x128xf32>
    %mul3A_318 = vector.broadcast %broadcast_in_dim3A_317 : vector<64x1x128xf32> to vector<64x64x128xf32>
    %mul3A_319 = arith.mulf %mul3A_311, %mul3A_318 : vector<64x64x128xf32>
    %reduce_sum3A_320 = arith.constant dense<0.000000e+00> : vector<64x128xf32>
    %reduce_sum3A_321 = vector.multi_reduction <add>, %mul3A_319, %reduce_sum3A_320 [0] : vector<64x64x128xf32> to vector<64x128xf32>
    %mul3A_322 = arith.constant 1.000000e-01 : f32
    %mul3A_323 = vector.broadcast %mul3A_322 : f32 to vector<64x128xf32>
    %mul3A_324 = arith.mulf %mul3A_323, %reduce_sum3A_321 : vector<64x128xf32>
    %add3A_325 = arith.addf %get3A_316, %mul3A_324 : vector<64x128xf32>
    %broadcast_in_dim3A_326 = vector.shape_cast %add3A_325 : vector<64x128xf32> to vector<64x1x128xf32>
    %mul3A_327 = vector.broadcast %broadcast_in_dim3A_326 : vector<64x1x128xf32> to vector<64x64x128xf32>
    %mul3A_328 = arith.mulf %mul3A_311, %mul3A_327 : vector<64x64x128xf32>
    %reduce_sum3A_329 = arith.constant dense<0.000000e+00> : vector<64x128xf32>
    %reduce_sum3A_330 = vector.multi_reduction <add>, %mul3A_328, %reduce_sum3A_329 [0] : vector<64x64x128xf32> to vector<64x128xf32>
    %mul3A_331 = arith.constant 5.000000e-02 : f32
    %mul3A_332 = vector.broadcast %mul3A_331 : f32 to vector<64x128xf32>
    %mul3A_333 = arith.mulf %mul3A_332, %reduce_sum3A_330 : vector<64x128xf32>
    %add3A_334 = arith.addf %add3A_325, %mul3A_333 : vector<64x128xf32>
    %broadcast_in_dim3A_335 = vector.shape_cast %add3A_334 : vector<64x128xf32> to vector<64x1x128xf32>
    %mul3A_336 = vector.broadcast %broadcast_in_dim3A_335 : vector<64x1x128xf32> to vector<64x64x128xf32>
    %mul3A_337 = arith.mulf %mul3A_311, %mul3A_336 : vector<64x64x128xf32>
    %reduce_sum3A_338 = arith.constant dense<0.000000e+00> : vector<64x128xf32>
    %reduce_sum3A_339 = vector.multi_reduction <add>, %mul3A_337, %reduce_sum3A_338 [0] : vector<64x64x128xf32> to vector<64x128xf32>
    %mul3A_340 = arith.constant 2.500000e-02 : f32
    %mul3A_341 = vector.broadcast %mul3A_340 : f32 to vector<64x128xf32>
    %mul3A_342 = arith.mulf %mul3A_341, %reduce_sum3A_339 : vector<64x128xf32>
    %add3A_343 = arith.addf %add3A_334, %mul3A_342 : vector<64x128xf32>
    %get3A_344 = arith.constant 0 : index
    %get3A_345 = arith.constant 0 : index
    %get3A_346 = vector.load %arg7[%get3A_344, %get3A_345] : memref<128x64xf32, #tpu.memory_space<vmem>>, vector<128x64xf32>
    %dot_general3A_347 = arith.constant dense<0.000000e+00> : vector<64x64xf32>
    %dot_general3A_348 = tpu.matmul %add3A_343, %get3A_346, %dot_general3A_347 {dimension_numbers = #tpu.dot_dimension_numbers<[1], [0], [0], [1], [0, 0, 1, 1], [], []>, transpose_lhs_hint = false} : vector<64x128xf32>, vector<128x64xf32>, vector<64x64xf32> -> vector<64x64xf32>
    %get3A_349 = arith.constant 0 : index
    %get3A_350 = arith.constant 0 : index
    %get3A_351 = vector.load %arg8[%get3A_349, %get3A_350] : memref<1x64xf32, #tpu.memory_space<vmem>>, vector<1x64xf32>
    %add3A_352 = vector.broadcast %get3A_351 : vector<1x64xf32> to vector<64x64xf32>
    %add3A_353 = arith.addf %dot_general3A_348, %add3A_352 : vector<64x64xf32>
    %tanh3A_354 = math.tanh %add3A_353 : vector<64x64xf32>
    %get3A_355 = arith.constant 0 : index
    %get3A_356 = arith.constant 0 : index
    %get3A_357 = vector.load %arg9[%get3A_355, %get3A_356] : memref<64x1xf32, #tpu.memory_space<vmem>>, vector<64x1xf32>
    %dot_general3A_358 = arith.constant dense<0.000000e+00> : vector<64x1xf32>
    %dot_general3A_359 = tpu.matmul %tanh3A_354, %get3A_357, %dot_general3A_358 {dimension_numbers = #tpu.dot_dimension_numbers<[1], [0], [0], [1], [0, 0, 1, 1], [], []>, transpose_lhs_hint = false} : vector<64x64xf32>, vector<64x1xf32>, vector<64x1xf32> -> vector<64x1xf32>
    %get3A_360 = arith.constant 0 : index
    %get3A_361 = arith.constant 0 : index
    %get3A_362 = vector.load %arg10[%get3A_360, %get3A_361] : memref<1x1xf32, #tpu.memory_space<vmem>>, vector<1x1xf32>
    %add3A_363 = vector.broadcast %get3A_362 : vector<1x1xf32> to vector<64x1xf32>
    %add3A_364 = arith.addf %dot_general3A_359, %add3A_363 : vector<64x1xf32>
    %mul3A_365 = arith.constant 16 : i32
    %mul3A_366 = arith.muli %mul3A_365, %arg0 : i32
    %add3A_367 = arith.constant 3 : i32
    %add3A_368 = arith.addi %mul3A_366, %add3A_367 : i32
    %reduce_sum3A_369 = arith.constant dense<0.000000e+00> : vector<1xf32>
    %reduce_sum3A_370 = vector.multi_reduction <add>, %add3A_364, %reduce_sum3A_369 [0] : vector<64x1xf32> to vector<1xf32>
    %broadcast_in_dim3A_371 = vector.shape_cast %reduce_sum3A_370 : vector<1xf32> to vector<1x1xf32>
    %swap3A_372 = arith.index_cast %add3A_368 : i32 to index
    %swap3A_373 = arith.constant 0 : index
    %swap3A_374 = vector.load %arg11[%swap3A_372, %swap3A_373] : memref<32x1xf32, #tpu.memory_space<vmem>>, vector<1x1xf32>
    tpu.vector_store %arg11[%swap3A_372, %swap3A_373], %broadcast_in_dim3A_371 {strides = array<i32>} : memref<32x1xf32, #tpu.memory_space<vmem>>, vector<1x1xf32>,
    %get3A_375 = arith.constant 4 : index
    %get3A_376 = arith.constant 0 : index
    %get3A_377 = arith.constant 0 : index
    %get3A_378 = vector.load %arg2[%get3A_375, %get3A_376, %get3A_377] : memref<16x1x4096xf32, #tpu.memory_space<vmem>>, vector<1x1x4096xf32>
    %get3A_379 = vector.shape_cast %get3A_378 : vector<1x1x4096xf32> to vector<1x4096xf32>
    %sub3A_380 = vector.broadcast %get3A_379 : vector<1x4096xf32> to vector<16x4096xf32>
    %sub3A_381 = vector.broadcast %mul3A_1 : vector<16x1xf32> to vector<16x4096xf32>
    %sub3A_382 = arith.subf %sub3A_380, %sub3A_381 : vector<16x4096xf32>
    %integer_pow3A_383 = arith.mulf %sub3A_382, %sub3A_382 : vector<16x4096xf32>
    %mul3A_384 = arith.constant -2.000000e+00 : f32
    %mul3A_385 = vector.broadcast %mul3A_384 : f32 to vector<16x4096xf32>
    %mul3A_386 = arith.mulf %mul3A_385, %integer_pow3A_383 : vector<16x4096xf32>
    %exp3A_387 = math.exp %mul3A_386 : vector<16x4096xf32>
    %concatenate3A_388 = tpu.concatenate %exp3A_387, %broadcast_in_dim3A_11 in 0 : vector<16x4096xf32>, vector<1x4096xf32> -> vector<17x4096xf32>
    %dot_general3A_389 = arith.constant dense<0.000000e+00> : vector<4096x128xf32>
    %dot_general3A_390 = tpu.matmul %concatenate3A_388, %concatenate3A, %dot_general3A_389 {dimension_numbers = #tpu.dot_dimension_numbers<[0], [0], [1], [1], [0, 1, 1, 1], [], []>, transpose_lhs_hint = false} : vector<17x4096xf32>, vector<17x128xf32>, vector<4096x128xf32> -> vector<4096x128xf32>
    %tanh3A_391 = math.tanh %dot_general3A_390 : vector<4096x128xf32>
    %get3A_392 = arith.constant 0 : index
    %get3A_393 = arith.constant 0 : index
    %get3A_394 = vector.load %arg5[%get3A_392, %get3A_393] : memref<128x128xf32, #tpu.memory_space<vmem>>, vector<128x128xf32>
    %dot_general3A_395 = arith.constant dense<0.000000e+00> : vector<4096x128xf32>
    %dot_general3A_396 = tpu.matmul %tanh3A_391, %get3A_394, %dot_general3A_395 {dimension_numbers = #tpu.dot_dimension_numbers<[1], [0], [0], [1], [0, 0, 1, 1], [], []>, transpose_lhs_hint = false} : vector<4096x128xf32>, vector<128x128xf32>, vector<4096x128xf32> -> vector<4096x128xf32>
    %get3A_397 = arith.constant 0 : index
    %get3A_398 = arith.constant 0 : index
    %get3A_399 = vector.load %arg6[%get3A_397, %get3A_398] : memref<1x128xf32, #tpu.memory_space<vmem>>, vector<1x128xf32>
    %add3A_400 = vector.broadcast %get3A_399 : vector<1x128xf32> to vector<4096x128xf32>
    %add3A_401 = arith.addf %dot_general3A_396, %add3A_400 : vector<4096x128xf32>
    %reshape3A_402 = vector.shape_cast %add3A_401 : vector<4096x128xf32> to vector<64x64x128xf32>
    %mul3A_403 = vector.broadcast %convert_element_type3A_5 : vector<64x64x1xf32> to vector<64x64x128xf32>
    %mul3A_404 = arith.mulf %reshape3A_402, %mul3A_403 : vector<64x64x128xf32>
    %get3A_405 = arith.constant 4 : index
    %get3A_406 = arith.constant 0 : index
    %get3A_407 = arith.constant 0 : index
    %get3A_408 = vector.load %arg1[%get3A_405, %get3A_406, %get3A_407] : memref<16x64x128xf32, #tpu.memory_space<vmem>>, vector<1x64x128xf32>
    %get3A_409 = vector.shape_cast %get3A_408 : vector<1x64x128xf32> to vector<64x128xf32>
    %broadcast_in_dim3A_410 = vector.shape_cast %get3A_409 : vector<64x128xf32> to vector<64x1x128xf32>
    %mul3A_411 = vector.broadcast %broadcast_in_dim3A_410 : vector<64x1x128xf32> to vector<64x64x128xf32>
    %mul3A_412 = arith.mulf %mul3A_404, %mul3A_411 : vector<64x64x128xf32>
    %reduce_sum3A_413 = arith.constant dense<0.000000e+00> : vector<64x128xf32>
    %reduce_sum3A_414 = vector.multi_reduction <add>, %mul3A_412, %reduce_sum3A_413 [0] : vector<64x64x128xf32> to vector<64x128xf32>
    %mul3A_415 = arith.constant 1.000000e-01 : f32
    %mul3A_416 = vector.broadcast %mul3A_415 : f32 to vector<64x128xf32>
    %mul3A_417 = arith.mulf %mul3A_416, %reduce_sum3A_414 : vector<64x128xf32>
    %add3A_418 = arith.addf %get3A_409, %mul3A_417 : vector<64x128xf32>
    %broadcast_in_dim3A_419 = vector.shape_cast %add3A_418 : vector<64x128xf32> to vector<64x1x128xf32>
    %mul3A_420 = vector.broadcast %broadcast_in_dim3A_419 : vector<64x1x128xf32> to vector<64x64x128xf32>
    %mul3A_421 = arith.mulf %mul3A_404, %mul3A_420 : vector<64x64x128xf32>
    %reduce_sum3A_422 = arith.constant dense<0.000000e+00> : vector<64x128xf32>
    %reduce_sum3A_423 = vector.multi_reduction <add>, %mul3A_421, %reduce_sum3A_422 [0] : vector<64x64x128xf32> to vector<64x128xf32>
    %mul3A_424 = arith.constant 5.000000e-02 : f32
    %mul3A_425 = vector.broadcast %mul3A_424 : f32 to vector<64x128xf32>
    %mul3A_426 = arith.mulf %mul3A_425, %reduce_sum3A_423 : vector<64x128xf32>
    %add3A_427 = arith.addf %add3A_418, %mul3A_426 : vector<64x128xf32>
    %broadcast_in_dim3A_428 = vector.shape_cast %add3A_427 : vector<64x128xf32> to vector<64x1x128xf32>
    %mul3A_429 = vector.broadcast %broadcast_in_dim3A_428 : vector<64x1x128xf32> to vector<64x64x128xf32>
    %mul3A_430 = arith.mulf %mul3A_404, %mul3A_429 : vector<64x64x128xf32>
    %reduce_sum3A_431 = arith.constant dense<0.000000e+00> : vector<64x128xf32>
    %reduce_sum3A_432 = vector.multi_reduction <add>, %mul3A_430, %reduce_sum3A_431 [0] : vector<64x64x128xf32> to vector<64x128xf32>
    %mul3A_433 = arith.constant 2.500000e-02 : f32
    %mul3A_434 = vector.broadcast %mul3A_433 : f32 to vector<64x128xf32>
    %mul3A_435 = arith.mulf %mul3A_434, %reduce_sum3A_432 : vector<64x128xf32>
    %add3A_436 = arith.addf %add3A_427, %mul3A_435 : vector<64x128xf32>
    %get3A_437 = arith.constant 0 : index
    %get3A_438 = arith.constant 0 : index
    %get3A_439 = vector.load %arg7[%get3A_437, %get3A_438] : memref<128x64xf32, #tpu.memory_space<vmem>>, vector<128x64xf32>
    %dot_general3A_440 = arith.constant dense<0.000000e+00> : vector<64x64xf32>
    %dot_general3A_441 = tpu.matmul %add3A_436, %get3A_439, %dot_general3A_440 {dimension_numbers = #tpu.dot_dimension_numbers<[1], [0], [0], [1], [0, 0, 1, 1], [], []>, transpose_lhs_hint = false} : vector<64x128xf32>, vector<128x64xf32>, vector<64x64xf32> -> vector<64x64xf32>
    %get3A_442 = arith.constant 0 : index
    %get3A_443 = arith.constant 0 : index
    %get3A_444 = vector.load %arg8[%get3A_442, %get3A_443] : memref<1x64xf32, #tpu.memory_space<vmem>>, vector<1x64xf32>
    %add3A_445 = vector.broadcast %get3A_444 : vector<1x64xf32> to vector<64x64xf32>
    %add3A_446 = arith.addf %dot_general3A_441, %add3A_445 : vector<64x64xf32>
    %tanh3A_447 = math.tanh %add3A_446 : vector<64x64xf32>
    %get3A_448 = arith.constant 0 : index
    %get3A_449 = arith.constant 0 : index
    %get3A_450 = vector.load %arg9[%get3A_448, %get3A_449] : memref<64x1xf32, #tpu.memory_space<vmem>>, vector<64x1xf32>
    %dot_general3A_451 = arith.constant dense<0.000000e+00> : vector<64x1xf32>
    %dot_general3A_452 = tpu.matmul %tanh3A_447, %get3A_450, %dot_general3A_451 {dimension_numbers = #tpu.dot_dimension_numbers<[1], [0], [0], [1], [0, 0, 1, 1], [], []>, transpose_lhs_hint = false} : vector<64x64xf32>, vector<64x1xf32>, vector<64x1xf32> -> vector<64x1xf32>
    %get3A_453 = arith.constant 0 : index
    %get3A_454 = arith.constant 0 : index
    %get3A_455 = vector.load %arg10[%get3A_453, %get3A_454] : memref<1x1xf32, #tpu.memory_space<vmem>>, vector<1x1xf32>
    %add3A_456 = vector.broadcast %get3A_455 : vector<1x1xf32> to vector<64x1xf32>
    %add3A_457 = arith.addf %dot_general3A_452, %add3A_456 : vector<64x1xf32>
    %mul3A_458 = arith.constant 16 : i32
    %mul3A_459 = arith.muli %mul3A_458, %arg0 : i32
    %add3A_460 = arith.constant 4 : i32
    %add3A_461 = arith.addi %mul3A_459, %add3A_460 : i32
    %reduce_sum3A_462 = arith.constant dense<0.000000e+00> : vector<1xf32>
    %reduce_sum3A_463 = vector.multi_reduction <add>, %add3A_457, %reduce_sum3A_462 [0] : vector<64x1xf32> to vector<1xf32>
    %broadcast_in_dim3A_464 = vector.shape_cast %reduce_sum3A_463 : vector<1xf32> to vector<1x1xf32>
    %swap3A_465 = arith.index_cast %add3A_461 : i32 to index
    %swap3A_466 = arith.constant 0 : index
    %swap3A_467 = vector.load %arg11[%swap3A_465, %swap3A_466] : memref<32x1xf32, #tpu.memory_space<vmem>>, vector<1x1xf32>
    tpu.vector_store %arg11[%swap3A_465, %swap3A_466], %broadcast_in_dim3A_464 {strides = array<i32>} : memref<32x1xf32, #tpu.memory_space<vmem>>, vector<1x1xf32>,
    %get3A_468 = arith.constant 5 : index
    %get3A_469 = arith.constant 0 : index
    %get3A_470 = arith.constant 0 : index
    %get3A_471 = vector.load %arg2[%get3A_468, %get3A_469, %get3A_470] : memref<16x1x4096xf32, #tpu.memory_space<vmem>>, vector<1x1x4096xf32>
    %get3A_472 = vector.shape_cast %get3A_471 : vector<1x1x4096xf32> to vector<1x4096xf32>
    %sub3A_473 = vector.broadcast %get3A_472 : vector<1x4096xf32> to vector<16x4096xf32>
    %sub3A_474 = vector.broadcast %mul3A_1 : vector<16x1xf32> to vector<16x4096xf32>
    %sub3A_475 = arith.subf %sub3A_473, %sub3A_474 : vector<16x4096xf32>
    %integer_pow3A_476 = arith.mulf %sub3A_475, %sub3A_475 : vector<16x4096xf32>
    %mul3A_477 = arith.constant -2.000000e+00 : f32
    %mul3A_478 = vector.broadcast %mul3A_477 : f32 to vector<16x4096xf32>
    %mul3A_479 = arith.mulf %mul3A_478, %integer_pow3A_476 : vector<16x4096xf32>
    %exp3A_480 = math.exp %mul3A_479 : vector<16x4096xf32>
    %concatenate3A_481 = tpu.concatenate %exp3A_480, %broadcast_in_dim3A_11 in 0 : vector<16x4096xf32>, vector<1x4096xf32> -> vector<17x4096xf32>
    %dot_general3A_482 = arith.constant dense<0.000000e+00> : vector<4096x128xf32>
    %dot_general3A_483 = tpu.matmul %concatenate3A_481, %concatenate3A, %dot_general3A_482 {dimension_numbers = #tpu.dot_dimension_numbers<[0], [0], [1], [1], [0, 1, 1, 1], [], []>, transpose_lhs_hint = false} : vector<17x4096xf32>, vector<17x128xf32>, vector<4096x128xf32> -> vector<4096x128xf32>
    %tanh3A_484 = math.tanh %dot_general3A_483 : vector<4096x128xf32>
    %get3A_485 = arith.constant 0 : index
    %get3A_486 = arith.constant 0 : index
    %get3A_487 = vector.load %arg5[%get3A_485, %get3A_486] : memref<128x128xf32, #tpu.memory_space<vmem>>, vector<128x128xf32>
    %dot_general3A_488 = arith.constant dense<0.000000e+00> : vector<4096x128xf32>
    %dot_general3A_489 = tpu.matmul %tanh3A_484, %get3A_487, %dot_general3A_488 {dimension_numbers = #tpu.dot_dimension_numbers<[1], [0], [0], [1], [0, 0, 1, 1], [], []>, transpose_lhs_hint = false} : vector<4096x128xf32>, vector<128x128xf32>, vector<4096x128xf32> -> vector<4096x128xf32>
    %get3A_490 = arith.constant 0 : index
    %get3A_491 = arith.constant 0 : index
    %get3A_492 = vector.load %arg6[%get3A_490, %get3A_491] : memref<1x128xf32, #tpu.memory_space<vmem>>, vector<1x128xf32>
    %add3A_493 = vector.broadcast %get3A_492 : vector<1x128xf32> to vector<4096x128xf32>
    %add3A_494 = arith.addf %dot_general3A_489, %add3A_493 : vector<4096x128xf32>
    %reshape3A_495 = vector.shape_cast %add3A_494 : vector<4096x128xf32> to vector<64x64x128xf32>
    %mul3A_496 = vector.broadcast %convert_element_type3A_5 : vector<64x64x1xf32> to vector<64x64x128xf32>
    %mul3A_497 = arith.mulf %reshape3A_495, %mul3A_496 : vector<64x64x128xf32>
    %get3A_498 = arith.constant 5 : index
    %get3A_499 = arith.constant 0 : index
    %get3A_500 = arith.constant 0 : index
    %get3A_501 = vector.load %arg1[%get3A_498, %get3A_499, %get3A_500] : memref<16x64x128xf32, #tpu.memory_space<vmem>>, vector<1x64x128xf32>
    %get3A_502 = vector.shape_cast %get3A_501 : vector<1x64x128xf32> to vector<64x128xf32>
    %broadcast_in_dim3A_503 = vector.shape_cast %get3A_502 : vector<64x128xf32> to vector<64x1x128xf32>
    %mul3A_504 = vector.broadcast %broadcast_in_dim3A_503 : vector<64x1x128xf32> to vector<64x64x128xf32>
    %mul3A_505 = arith.mulf %mul3A_497, %mul3A_504 : vector<64x64x128xf32>
    %reduce_sum3A_506 = arith.constant dense<0.000000e+00> : vector<64x128xf32>
    %reduce_sum3A_507 = vector.multi_reduction <add>, %mul3A_505, %reduce_sum3A_506 [0] : vector<64x64x128xf32> to vector<64x128xf32>
    %mul3A_508 = arith.constant 1.000000e-01 : f32
    %mul3A_509 = vector.broadcast %mul3A_508 : f32 to vector<64x128xf32>
    %mul3A_510 = arith.mulf %mul3A_509, %reduce_sum3A_507 : vector<64x128xf32>
    %add3A_511 = arith.addf %get3A_502, %mul3A_510 : vector<64x128xf32>
    %broadcast_in_dim3A_512 = vector.shape_cast %add3A_511 : vector<64x128xf32> to vector<64x1x128xf32>
    %mul3A_513 = vector.broadcast %broadcast_in_dim3A_512 : vector<64x1x128xf32> to vector<64x64x128xf32>
    %mul3A_514 = arith.mulf %mul3A_497, %mul3A_513 : vector<64x64x128xf32>
    %reduce_sum3A_515 = arith.constant dense<0.000000e+00> : vector<64x128xf32>
    %reduce_sum3A_516 = vector.multi_reduction <add>, %mul3A_514, %reduce_sum3A_515 [0] : vector<64x64x128xf32> to vector<64x128xf32>
    %mul3A_517 = arith.constant 5.000000e-02 : f32
    %mul3A_518 = vector.broadcast %mul3A_517 : f32 to vector<64x128xf32>
    %mul3A_519 = arith.mulf %mul3A_518, %reduce_sum3A_516 : vector<64x128xf32>
    %add3A_520 = arith.addf %add3A_511, %mul3A_519 : vector<64x128xf32>
    %broadcast_in_dim3A_521 = vector.shape_cast %add3A_520 : vector<64x128xf32> to vector<64x1x128xf32>
    %mul3A_522 = vector.broadcast %broadcast_in_dim3A_521 : vector<64x1x128xf32> to vector<64x64x128xf32>
    %mul3A_523 = arith.mulf %mul3A_497, %mul3A_522 : vector<64x64x128xf32>
    %reduce_sum3A_524 = arith.constant dense<0.000000e+00> : vector<64x128xf32>
    %reduce_sum3A_525 = vector.multi_reduction <add>, %mul3A_523, %reduce_sum3A_524 [0] : vector<64x64x128xf32> to vector<64x128xf32>
    %mul3A_526 = arith.constant 2.500000e-02 : f32
    %mul3A_527 = vector.broadcast %mul3A_526 : f32 to vector<64x128xf32>
    %mul3A_528 = arith.mulf %mul3A_527, %reduce_sum3A_525 : vector<64x128xf32>
    %add3A_529 = arith.addf %add3A_520, %mul3A_528 : vector<64x128xf32>
    %get3A_530 = arith.constant 0 : index
    %get3A_531 = arith.constant 0 : index
    %get3A_532 = vector.load %arg7[%get3A_530, %get3A_531] : memref<128x64xf32, #tpu.memory_space<vmem>>, vector<128x64xf32>
    %dot_general3A_533 = arith.constant dense<0.000000e+00> : vector<64x64xf32>
    %dot_general3A_534 = tpu.matmul %add3A_529, %get3A_532, %dot_general3A_533 {dimension_numbers = #tpu.dot_dimension_numbers<[1], [0], [0], [1], [0, 0, 1, 1], [], []>, transpose_lhs_hint = false} : vector<64x128xf32>, vector<128x64xf32>, vector<64x64xf32> -> vector<64x64xf32>
    %get3A_535 = arith.constant 0 : index
    %get3A_536 = arith.constant 0 : index
    %get3A_537 = vector.load %arg8[%get3A_535, %get3A_536] : memref<1x64xf32, #tpu.memory_space<vmem>>, vector<1x64xf32>
    %add3A_538 = vector.broadcast %get3A_537 : vector<1x64xf32> to vector<64x64xf32>
    %add3A_539 = arith.addf %dot_general3A_534, %add3A_538 : vector<64x64xf32>
    %tanh3A_540 = math.tanh %add3A_539 : vector<64x64xf32>
    %get3A_541 = arith.constant 0 : index
    %get3A_542 = arith.constant 0 : index
    %get3A_543 = vector.load %arg9[%get3A_541, %get3A_542] : memref<64x1xf32, #tpu.memory_space<vmem>>, vector<64x1xf32>
    %dot_general3A_544 = arith.constant dense<0.000000e+00> : vector<64x1xf32>
    %dot_general3A_545 = tpu.matmul %tanh3A_540, %get3A_543, %dot_general3A_544 {dimension_numbers = #tpu.dot_dimension_numbers<[1], [0], [0], [1], [0, 0, 1, 1], [], []>, transpose_lhs_hint = false} : vector<64x64xf32>, vector<64x1xf32>, vector<64x1xf32> -> vector<64x1xf32>
    %get3A_546 = arith.constant 0 : index
    %get3A_547 = arith.constant 0 : index
    %get3A_548 = vector.load %arg10[%get3A_546, %get3A_547] : memref<1x1xf32, #tpu.memory_space<vmem>>, vector<1x1xf32>
    %add3A_549 = vector.broadcast %get3A_548 : vector<1x1xf32> to vector<64x1xf32>
    %add3A_550 = arith.addf %dot_general3A_545, %add3A_549 : vector<64x1xf32>
    %mul3A_551 = arith.constant 16 : i32
    %mul3A_552 = arith.muli %mul3A_551, %arg0 : i32
    %add3A_553 = arith.constant 5 : i32
    %add3A_554 = arith.addi %mul3A_552, %add3A_553 : i32
    %reduce_sum3A_555 = arith.constant dense<0.000000e+00> : vector<1xf32>
    %reduce_sum3A_556 = vector.multi_reduction <add>, %add3A_550, %reduce_sum3A_555 [0] : vector<64x1xf32> to vector<1xf32>
    %broadcast_in_dim3A_557 = vector.shape_cast %reduce_sum3A_556 : vector<1xf32> to vector<1x1xf32>
    %swap3A_558 = arith.index_cast %add3A_554 : i32 to index
    %swap3A_559 = arith.constant 0 : index
    %swap3A_560 = vector.load %arg11[%swap3A_558, %swap3A_559] : memref<32x1xf32, #tpu.memory_space<vmem>>, vector<1x1xf32>
    tpu.vector_store %arg11[%swap3A_558, %swap3A_559], %broadcast_in_dim3A_557 {strides = array<i32>} : memref<32x1xf32, #tpu.memory_space<vmem>>, vector<1x1xf32>,
    %get3A_561 = arith.constant 6 : index
    %get3A_562 = arith.constant 0 : index
    %get3A_563 = arith.constant 0 : index
    %get3A_564 = vector.load %arg2[%get3A_561, %get3A_562, %get3A_563] : memref<16x1x4096xf32, #tpu.memory_space<vmem>>, vector<1x1x4096xf32>
    %get3A_565 = vector.shape_cast %get3A_564 : vector<1x1x4096xf32> to vector<1x4096xf32>
    %sub3A_566 = vector.broadcast %get3A_565 : vector<1x4096xf32> to vector<16x4096xf32>
    %sub3A_567 = vector.broadcast %mul3A_1 : vector<16x1xf32> to vector<16x4096xf32>
    %sub3A_568 = arith.subf %sub3A_566, %sub3A_567 : vector<16x4096xf32>
    %integer_pow3A_569 = arith.mulf %sub3A_568, %sub3A_568 : vector<16x4096xf32>
    %mul3A_570 = arith.constant -2.000000e+00 : f32
    %mul3A_571 = vector.broadcast %mul3A_570 : f32 to vector<16x4096xf32>
    %mul3A_572 = arith.mulf %mul3A_571, %integer_pow3A_569 : vector<16x4096xf32>
    %exp3A_573 = math.exp %mul3A_572 : vector<16x4096xf32>
    %concatenate3A_574 = tpu.concatenate %exp3A_573, %broadcast_in_dim3A_11 in 0 : vector<16x4096xf32>, vector<1x4096xf32> -> vector<17x4096xf32>
    %dot_general3A_575 = arith.constant dense<0.000000e+00> : vector<4096x128xf32>
    %dot_general3A_576 = tpu.matmul %concatenate3A_574, %concatenate3A, %dot_general3A_575 {dimension_numbers = #tpu.dot_dimension_numbers<[0], [0], [1], [1], [0, 1, 1, 1], [], []>, transpose_lhs_hint = false} : vector<17x4096xf32>, vector<17x128xf32>, vector<4096x128xf32> -> vector<4096x128xf32>
    %tanh3A_577 = math.tanh %dot_general3A_576 : vector<4096x128xf32>
    %get3A_578 = arith.constant 0 : index
    %get3A_579 = arith.constant 0 : index
    %get3A_580 = vector.load %arg5[%get3A_578, %get3A_579] : memref<128x128xf32, #tpu.memory_space<vmem>>, vector<128x128xf32>
    %dot_general3A_581 = arith.constant dense<0.000000e+00> : vector<4096x128xf32>
    %dot_general3A_582 = tpu.matmul %tanh3A_577, %get3A_580, %dot_general3A_581 {dimension_numbers = #tpu.dot_dimension_numbers<[1], [0], [0], [1], [0, 0, 1, 1], [], []>, transpose_lhs_hint = false} : vector<4096x128xf32>, vector<128x128xf32>, vector<4096x128xf32> -> vector<4096x128xf32>
    %get3A_583 = arith.constant 0 : index
    %get3A_584 = arith.constant 0 : index
    %get3A_585 = vector.load %arg6[%get3A_583, %get3A_584] : memref<1x128xf32, #tpu.memory_space<vmem>>, vector<1x128xf32>
    %add3A_586 = vector.broadcast %get3A_585 : vector<1x128xf32> to vector<4096x128xf32>
    %add3A_587 = arith.addf %dot_general3A_582, %add3A_586 : vector<4096x128xf32>
    %reshape3A_588 = vector.shape_cast %add3A_587 : vector<4096x128xf32> to vector<64x64x128xf32>
    %mul3A_589 = vector.broadcast %convert_element_type3A_5 : vector<64x64x1xf32> to vector<64x64x128xf32>
    %mul3A_590 = arith.mulf %reshape3A_588, %mul3A_589 : vector<64x64x128xf32>
    %get3A_591 = arith.constant 6 : index
    %get3A_592 = arith.constant 0 : index
    %get3A_593 = arith.constant 0 : index
    %get3A_594 = vector.load %arg1[%get3A_591, %get3A_592, %get3A_593] : memref<16x64x128xf32, #tpu.memory_space<vmem>>, vector<1x64x128xf32>
    %get3A_595 = vector.shape_cast %get3A_594 : vector<1x64x128xf32> to vector<64x128xf32>
    %broadcast_in_dim3A_596 = vector.shape_cast %get3A_595 : vector<64x128xf32> to vector<64x1x128xf32>
    %mul3A_597 = vector.broadcast %broadcast_in_dim3A_596 : vector<64x1x128xf32> to vector<64x64x128xf32>
    %mul3A_598 = arith.mulf %mul3A_590, %mul3A_597 : vector<64x64x128xf32>
    %reduce_sum3A_599 = arith.constant dense<0.000000e+00> : vector<64x128xf32>
    %reduce_sum3A_600 = vector.multi_reduction <add>, %mul3A_598, %reduce_sum3A_599 [0] : vector<64x64x128xf32> to vector<64x128xf32>
    %mul3A_601 = arith.constant 1.000000e-01 : f32
    %mul3A_602 = vector.broadcast %mul3A_601 : f32 to vector<64x128xf32>
    %mul3A_603 = arith.mulf %mul3A_602, %reduce_sum3A_600 : vector<64x128xf32>
    %add3A_604 = arith.addf %get3A_595, %mul3A_603 : vector<64x128xf32>
    %broadcast_in_dim3A_605 = vector.shape_cast %add3A_604 : vector<64x128xf32> to vector<64x1x128xf32>
    %mul3A_606 = vector.broadcast %broadcast_in_dim3A_605 : vector<64x1x128xf32> to vector<64x64x128xf32>
    %mul3A_607 = arith.mulf %mul3A_590, %mul3A_606 : vector<64x64x128xf32>
    %reduce_sum3A_608 = arith.constant dense<0.000000e+00> : vector<64x128xf32>
    %reduce_sum3A_609 = vector.multi_reduction <add>, %mul3A_607, %reduce_sum3A_608 [0] : vector<64x64x128xf32> to vector<64x128xf32>
    %mul3A_610 = arith.constant 5.000000e-02 : f32
    %mul3A_611 = vector.broadcast %mul3A_610 : f32 to vector<64x128xf32>
    %mul3A_612 = arith.mulf %mul3A_611, %reduce_sum3A_609 : vector<64x128xf32>
    %add3A_613 = arith.addf %add3A_604, %mul3A_612 : vector<64x128xf32>
    %broadcast_in_dim3A_614 = vector.shape_cast %add3A_613 : vector<64x128xf32> to vector<64x1x128xf32>
    %mul3A_615 = vector.broadcast %broadcast_in_dim3A_614 : vector<64x1x128xf32> to vector<64x64x128xf32>
    %mul3A_616 = arith.mulf %mul3A_590, %mul3A_615 : vector<64x64x128xf32>
    %reduce_sum3A_617 = arith.constant dense<0.000000e+00> : vector<64x128xf32>
    %reduce_sum3A_618 = vector.multi_reduction <add>, %mul3A_616, %reduce_sum3A_617 [0] : vector<64x64x128xf32> to vector<64x128xf32>
    %mul3A_619 = arith.constant 2.500000e-02 : f32
    %mul3A_620 = vector.broadcast %mul3A_619 : f32 to vector<64x128xf32>
    %mul3A_621 = arith.mulf %mul3A_620, %reduce_sum3A_618 : vector<64x128xf32>
    %add3A_622 = arith.addf %add3A_613, %mul3A_621 : vector<64x128xf32>
    %get3A_623 = arith.constant 0 : index
    %get3A_624 = arith.constant 0 : index
    %get3A_625 = vector.load %arg7[%get3A_623, %get3A_624] : memref<128x64xf32, #tpu.memory_space<vmem>>, vector<128x64xf32>
    %dot_general3A_626 = arith.constant dense<0.000000e+00> : vector<64x64xf32>
    %dot_general3A_627 = tpu.matmul %add3A_622, %get3A_625, %dot_general3A_626 {dimension_numbers = #tpu.dot_dimension_numbers<[1], [0], [0], [1], [0, 0, 1, 1], [], []>, transpose_lhs_hint = false} : vector<64x128xf32>, vector<128x64xf32>, vector<64x64xf32> -> vector<64x64xf32>
    %get3A_628 = arith.constant 0 : index
    %get3A_629 = arith.constant 0 : index
    %get3A_630 = vector.load %arg8[%get3A_628, %get3A_629] : memref<1x64xf32, #tpu.memory_space<vmem>>, vector<1x64xf32>
    %add3A_631 = vector.broadcast %get3A_630 : vector<1x64xf32> to vector<64x64xf32>
    %add3A_632 = arith.addf %dot_general3A_627, %add3A_631 : vector<64x64xf32>
    %tanh3A_633 = math.tanh %add3A_632 : vector<64x64xf32>
    %get3A_634 = arith.constant 0 : index
    %get3A_635 = arith.constant 0 : index
    %get3A_636 = vector.load %arg9[%get3A_634, %get3A_635] : memref<64x1xf32, #tpu.memory_space<vmem>>, vector<64x1xf32>
    %dot_general3A_637 = arith.constant dense<0.000000e+00> : vector<64x1xf32>
    %dot_general3A_638 = tpu.matmul %tanh3A_633, %get3A_636, %dot_general3A_637 {dimension_numbers = #tpu.dot_dimension_numbers<[1], [0], [0], [1], [0, 0, 1, 1], [], []>, transpose_lhs_hint = false} : vector<64x64xf32>, vector<64x1xf32>, vector<64x1xf32> -> vector<64x1xf32>
    %get3A_639 = arith.constant 0 : index
    %get3A_640 = arith.constant 0 : index
    %get3A_641 = vector.load %arg10[%get3A_639, %get3A_640] : memref<1x1xf32, #tpu.memory_space<vmem>>, vector<1x1xf32>
    %add3A_642 = vector.broadcast %get3A_641 : vector<1x1xf32> to vector<64x1xf32>
    %add3A_643 = arith.addf %dot_general3A_638, %add3A_642 : vector<64x1xf32>
    %mul3A_644 = arith.constant 16 : i32
    %mul3A_645 = arith.muli %mul3A_644, %arg0 : i32
    %add3A_646 = arith.constant 6 : i32
    %add3A_647 = arith.addi %mul3A_645, %add3A_646 : i32
    %reduce_sum3A_648 = arith.constant dense<0.000000e+00> : vector<1xf32>
    %reduce_sum3A_649 = vector.multi_reduction <add>, %add3A_643, %reduce_sum3A_648 [0] : vector<64x1xf32> to vector<1xf32>
    %broadcast_in_dim3A_650 = vector.shape_cast %reduce_sum3A_649 : vector<1xf32> to vector<1x1xf32>
    %swap3A_651 = arith.index_cast %add3A_647 : i32 to index
    %swap3A_652 = arith.constant 0 : index
    %swap3A_653 = vector.load %arg11[%swap3A_651, %swap3A_652] : memref<32x1xf32, #tpu.memory_space<vmem>>, vector<1x1xf32>
    tpu.vector_store %arg11[%swap3A_651, %swap3A_652], %broadcast_in_dim3A_650 {strides = array<i32>} : memref<32x1xf32, #tpu.memory_space<vmem>>, vector<1x1xf32>,
    %get3A_654 = arith.constant 7 : index
    %get3A_655 = arith.constant 0 : index
    %get3A_656 = arith.constant 0 : index
    %get3A_657 = vector.load %arg2[%get3A_654, %get3A_655, %get3A_656] : memref<16x1x4096xf32, #tpu.memory_space<vmem>>, vector<1x1x4096xf32>
    %get3A_658 = vector.shape_cast %get3A_657 : vector<1x1x4096xf32> to vector<1x4096xf32>
    %sub3A_659 = vector.broadcast %get3A_658 : vector<1x4096xf32> to vector<16x4096xf32>
    %sub3A_660 = vector.broadcast %mul3A_1 : vector<16x1xf32> to vector<16x4096xf32>
    %sub3A_661 = arith.subf %sub3A_659, %sub3A_660 : vector<16x4096xf32>
    %integer_pow3A_662 = arith.mulf %sub3A_661, %sub3A_661 : vector<16x4096xf32>
    %mul3A_663 = arith.constant -2.000000e+00 : f32
    %mul3A_664 = vector.broadcast %mul3A_663 : f32 to vector<16x4096xf32>
    %mul3A_665 = arith.mulf %mul3A_664, %integer_pow3A_662 : vector<16x4096xf32>
    %exp3A_666 = math.exp %mul3A_665 : vector<16x4096xf32>
    %concatenate3A_667 = tpu.concatenate %exp3A_666, %broadcast_in_dim3A_11 in 0 : vector<16x4096xf32>, vector<1x4096xf32> -> vector<17x4096xf32>
    %dot_general3A_668 = arith.constant dense<0.000000e+00> : vector<4096x128xf32>
    %dot_general3A_669 = tpu.matmul %concatenate3A_667, %concatenate3A, %dot_general3A_668 {dimension_numbers = #tpu.dot_dimension_numbers<[0], [0], [1], [1], [0, 1, 1, 1], [], []>, transpose_lhs_hint = false} : vector<17x4096xf32>, vector<17x128xf32>, vector<4096x128xf32> -> vector<4096x128xf32>
    %tanh3A_670 = math.tanh %dot_general3A_669 : vector<4096x128xf32>
    %get3A_671 = arith.constant 0 : index
    %get3A_672 = arith.constant 0 : index
    %get3A_673 = vector.load %arg5[%get3A_671, %get3A_672] : memref<128x128xf32, #tpu.memory_space<vmem>>, vector<128x128xf32>
    %dot_general3A_674 = arith.constant dense<0.000000e+00> : vector<4096x128xf32>
    %dot_general3A_675 = tpu.matmul %tanh3A_670, %get3A_673, %dot_general3A_674 {dimension_numbers = #tpu.dot_dimension_numbers<[1], [0], [0], [1], [0, 0, 1, 1], [], []>, transpose_lhs_hint = false} : vector<4096x128xf32>, vector<128x128xf32>, vector<4096x128xf32> -> vector<4096x128xf32>
    %get3A_676 = arith.constant 0 : index
    %get3A_677 = arith.constant 0 : index
    %get3A_678 = vector.load %arg6[%get3A_676, %get3A_677] : memref<1x128xf32, #tpu.memory_space<vmem>>, vector<1x128xf32>
    %add3A_679 = vector.broadcast %get3A_678 : vector<1x128xf32> to vector<4096x128xf32>
    %add3A_680 = arith.addf %dot_general3A_675, %add3A_679 : vector<4096x128xf32>
    %reshape3A_681 = vector.shape_cast %add3A_680 : vector<4096x128xf32> to vector<64x64x128xf32>
    %mul3A_682 = vector.broadcast %convert_element_type3A_5 : vector<64x64x1xf32> to vector<64x64x128xf32>
    %mul3A_683 = arith.mulf %reshape3A_681, %mul3A_682 : vector<64x64x128xf32>
    %get3A_684 = arith.constant 7 : index
    %get3A_685 = arith.constant 0 : index
    %get3A_686 = arith.constant 0 : index
    %get3A_687 = vector.load %arg1[%get3A_684, %get3A_685, %get3A_686] : memref<16x64x128xf32, #tpu.memory_space<vmem>>, vector<1x64x128xf32>
    %get3A_688 = vector.shape_cast %get3A_687 : vector<1x64x128xf32> to vector<64x128xf32>
    %broadcast_in_dim3A_689 = vector.shape_cast %get3A_688 : vector<64x128xf32> to vector<64x1x128xf32>
    %mul3A_690 = vector.broadcast %broadcast_in_dim3A_689 : vector<64x1x128xf32> to vector<64x64x128xf32>
    %mul3A_691 = arith.mulf %mul3A_683, %mul3A_690 : vector<64x64x128xf32>
    %reduce_sum3A_692 = arith.constant dense<0.000000e+00> : vector<64x128xf32>
    %reduce_sum3A_693 = vector.multi_reduction <add>, %mul3A_691, %reduce_sum3A_692 [0] : vector<64x64x128xf32> to vector<64x128xf32>
    %mul3A_694 = arith.constant 1.000000e-01 : f32
    %mul3A_695 = vector.broadcast %mul3A_694 : f32 to vector<64x128xf32>
    %mul3A_696 = arith.mulf %mul3A_695, %reduce_sum3A_693 : vector<64x128xf32>
    %add3A_697 = arith.addf %get3A_688, %mul3A_696 : vector<64x128xf32>
    %broadcast_in_dim3A_698 = vector.shape_cast %add3A_697 : vector<64x128xf32> to vector<64x1x128xf32>
    %mul3A_699 = vector.broadcast %broadcast_in_dim3A_698 : vector<64x1x128xf32> to vector<64x64x128xf32>
    %mul3A_700 = arith.mulf %mul3A_683, %mul3A_699 : vector<64x64x128xf32>
    %reduce_sum3A_701 = arith.constant dense<0.000000e+00> : vector<64x128xf32>
    %reduce_sum3A_702 = vector.multi_reduction <add>, %mul3A_700, %reduce_sum3A_701 [0] : vector<64x64x128xf32> to vector<64x128xf32>
    %mul3A_703 = arith.constant 5.000000e-02 : f32
    %mul3A_704 = vector.broadcast %mul3A_703 : f32 to vector<64x128xf32>
    %mul3A_705 = arith.mulf %mul3A_704, %reduce_sum3A_702 : vector<64x128xf32>
    %add3A_706 = arith.addf %add3A_697, %mul3A_705 : vector<64x128xf32>
    %broadcast_in_dim3A_707 = vector.shape_cast %add3A_706 : vector<64x128xf32> to vector<64x1x128xf32>
    %mul3A_708 = vector.broadcast %broadcast_in_dim3A_707 : vector<64x1x128xf32> to vector<64x64x128xf32>
    %mul3A_709 = arith.mulf %mul3A_683, %mul3A_708 : vector<64x64x128xf32>
    %reduce_sum3A_710 = arith.constant dense<0.000000e+00> : vector<64x128xf32>
    %reduce_sum3A_711 = vector.multi_reduction <add>, %mul3A_709, %reduce_sum3A_710 [0] : vector<64x64x128xf32> to vector<64x128xf32>
    %mul3A_712 = arith.constant 2.500000e-02 : f32
    %mul3A_713 = vector.broadcast %mul3A_712 : f32 to vector<64x128xf32>
    %mul3A_714 = arith.mulf %mul3A_713, %reduce_sum3A_711 : vector<64x128xf32>
    %add3A_715 = arith.addf %add3A_706, %mul3A_714 : vector<64x128xf32>
    %get3A_716 = arith.constant 0 : index
    %get3A_717 = arith.constant 0 : index
    %get3A_718 = vector.load %arg7[%get3A_716, %get3A_717] : memref<128x64xf32, #tpu.memory_space<vmem>>, vector<128x64xf32>
    %dot_general3A_719 = arith.constant dense<0.000000e+00> : vector<64x64xf32>
    %dot_general3A_720 = tpu.matmul %add3A_715, %get3A_718, %dot_general3A_719 {dimension_numbers = #tpu.dot_dimension_numbers<[1], [0], [0], [1], [0, 0, 1, 1], [], []>, transpose_lhs_hint = false} : vector<64x128xf32>, vector<128x64xf32>, vector<64x64xf32> -> vector<64x64xf32>
    %get3A_721 = arith.constant 0 : index
    %get3A_722 = arith.constant 0 : index
    %get3A_723 = vector.load %arg8[%get3A_721, %get3A_722] : memref<1x64xf32, #tpu.memory_space<vmem>>, vector<1x64xf32>
    %add3A_724 = vector.broadcast %get3A_723 : vector<1x64xf32> to vector<64x64xf32>
    %add3A_725 = arith.addf %dot_general3A_720, %add3A_724 : vector<64x64xf32>
    %tanh3A_726 = math.tanh %add3A_725 : vector<64x64xf32>
    %get3A_727 = arith.constant 0 : index
    %get3A_728 = arith.constant 0 : index
    %get3A_729 = vector.load %arg9[%get3A_727, %get3A_728] : memref<64x1xf32, #tpu.memory_space<vmem>>, vector<64x1xf32>
    %dot_general3A_730 = arith.constant dense<0.000000e+00> : vector<64x1xf32>
    %dot_general3A_731 = tpu.matmul %tanh3A_726, %get3A_729, %dot_general3A_730 {dimension_numbers = #tpu.dot_dimension_numbers<[1], [0], [0], [1], [0, 0, 1, 1], [], []>, transpose_lhs_hint = false} : vector<64x64xf32>, vector<64x1xf32>, vector<64x1xf32> -> vector<64x1xf32>
    %get3A_732 = arith.constant 0 : index
    %get3A_733 = arith.constant 0 : index
    %get3A_734 = vector.load %arg10[%get3A_732, %get3A_733] : memref<1x1xf32, #tpu.memory_space<vmem>>, vector<1x1xf32>
    %add3A_735 = vector.broadcast %get3A_734 : vector<1x1xf32> to vector<64x1xf32>
    %add3A_736 = arith.addf %dot_general3A_731, %add3A_735 : vector<64x1xf32>
    %mul3A_737 = arith.constant 16 : i32
    %mul3A_738 = arith.muli %mul3A_737, %arg0 : i32
    %add3A_739 = arith.constant 7 : i32
    %add3A_740 = arith.addi %mul3A_738, %add3A_739 : i32
    %reduce_sum3A_741 = arith.constant dense<0.000000e+00> : vector<1xf32>
    %reduce_sum3A_742 = vector.multi_reduction <add>, %add3A_736, %reduce_sum3A_741 [0] : vector<64x1xf32> to vector<1xf32>
    %broadcast_in_dim3A_743 = vector.shape_cast %reduce_sum3A_742 : vector<1xf32> to vector<1x1xf32>
    %swap3A_744 = arith.index_cast %add3A_740 : i32 to index
    %swap3A_745 = arith.constant 0 : index
    %swap3A_746 = vector.load %arg11[%swap3A_744, %swap3A_745] : memref<32x1xf32, #tpu.memory_space<vmem>>, vector<1x1xf32>
    tpu.vector_store %arg11[%swap3A_744, %swap3A_745], %broadcast_in_dim3A_743 {strides = array<i32>} : memref<32x1xf32, #tpu.memory_space<vmem>>, vector<1x1xf32>,
    %get3A_747 = arith.constant 8 : index
    %get3A_748 = arith.constant 0 : index
    %get3A_749 = arith.constant 0 : index
    %get3A_750 = vector.load %arg2[%get3A_747, %get3A_748, %get3A_749] : memref<16x1x4096xf32, #tpu.memory_space<vmem>>, vector<1x1x4096xf32>
    %get3A_751 = vector.shape_cast %get3A_750 : vector<1x1x4096xf32> to vector<1x4096xf32>
    %sub3A_752 = vector.broadcast %get3A_751 : vector<1x4096xf32> to vector<16x4096xf32>
    %sub3A_753 = vector.broadcast %mul3A_1 : vector<16x1xf32> to vector<16x4096xf32>
    %sub3A_754 = arith.subf %sub3A_752, %sub3A_753 : vector<16x4096xf32>
    %integer_pow3A_755 = arith.mulf %sub3A_754, %sub3A_754 : vector<16x4096xf32>
    %mul3A_756 = arith.constant -2.000000e+00 : f32
    %mul3A_757 = vector.broadcast %mul3A_756 : f32 to vector<16x4096xf32>
    %mul3A_758 = arith.mulf %mul3A_757, %integer_pow3A_755 : vector<16x4096xf32>
    %exp3A_759 = math.exp %mul3A_758 : vector<16x4096xf32>
    %concatenate3A_760 = tpu.concatenate %exp3A_759, %broadcast_in_dim3A_11 in 0 : vector<16x4096xf32>, vector<1x4096xf32> -> vector<17x4096xf32>
    %dot_general3A_761 = arith.constant dense<0.000000e+00> : vector<4096x128xf32>
    %dot_general3A_762 = tpu.matmul %concatenate3A_760, %concatenate3A, %dot_general3A_761 {dimension_numbers = #tpu.dot_dimension_numbers<[0], [0], [1], [1], [0, 1, 1, 1], [], []>, transpose_lhs_hint = false} : vector<17x4096xf32>, vector<17x128xf32>, vector<4096x128xf32> -> vector<4096x128xf32>
    %tanh3A_763 = math.tanh %dot_general3A_762 : vector<4096x128xf32>
    %get3A_764 = arith.constant 0 : index
    %get3A_765 = arith.constant 0 : index
    %get3A_766 = vector.load %arg5[%get3A_764, %get3A_765] : memref<128x128xf32, #tpu.memory_space<vmem>>, vector<128x128xf32>
    %dot_general3A_767 = arith.constant dense<0.000000e+00> : vector<4096x128xf32>
    %dot_general3A_768 = tpu.matmul %tanh3A_763, %get3A_766, %dot_general3A_767 {dimension_numbers = #tpu.dot_dimension_numbers<[1], [0], [0], [1], [0, 0, 1, 1], [], []>, transpose_lhs_hint = false} : vector<4096x128xf32>, vector<128x128xf32>, vector<4096x128xf32> -> vector<4096x128xf32>
    %get3A_769 = arith.constant 0 : index
    %get3A_770 = arith.constant 0 : index
    %get3A_771 = vector.load %arg6[%get3A_769, %get3A_770] : memref<1x128xf32, #tpu.memory_space<vmem>>, vector<1x128xf32>
    %add3A_772 = vector.broadcast %get3A_771 : vector<1x128xf32> to vector<4096x128xf32>
    %add3A_773 = arith.addf %dot_general3A_768, %add3A_772 : vector<4096x128xf32>
    %reshape3A_774 = vector.shape_cast %add3A_773 : vector<4096x128xf32> to vector<64x64x128xf32>
    %mul3A_775 = vector.broadcast %convert_element_type3A_5 : vector<64x64x1xf32> to vector<64x64x128xf32>
    %mul3A_776 = arith.mulf %reshape3A_774, %mul3A_775 : vector<64x64x128xf32>
    %get3A_777 = arith.constant 8 : index
    %get3A_778 = arith.constant 0 : index
    %get3A_779 = arith.constant 0 : index
    %get3A_780 = vector.load %arg1[%get3A_777, %get3A_778, %get3A_779] : memref<16x64x128xf32, #tpu.memory_space<vmem>>, vector<1x64x128xf32>
    %get3A_781 = vector.shape_cast %get3A_780 : vector<1x64x128xf32> to vector<64x128xf32>
    %broadcast_in_dim3A_782 = vector.shape_cast %get3A_781 : vector<64x128xf32> to vector<64x1x128xf32>
    %mul3A_783 = vector.broadcast %broadcast_in_dim3A_782 : vector<64x1x128xf32> to vector<64x64x128xf32>
    %mul3A_784 = arith.mulf %mul3A_776, %mul3A_783 : vector<64x64x128xf32>
    %reduce_sum3A_785 = arith.constant dense<0.000000e+00> : vector<64x128xf32>
    %reduce_sum3A_786 = vector.multi_reduction <add>, %mul3A_784, %reduce_sum3A_785 [0] : vector<64x64x128xf32> to vector<64x128xf32>
    %mul3A_787 = arith.constant 1.000000e-01 : f32
    %mul3A_788 = vector.broadcast %mul3A_787 : f32 to vector<64x128xf32>
    %mul3A_789 = arith.mulf %mul3A_788, %reduce_sum3A_786 : vector<64x128xf32>
    %add3A_790 = arith.addf %get3A_781, %mul3A_789 : vector<64x128xf32>
    %broadcast_in_dim3A_791 = vector.shape_cast %add3A_790 : vector<64x128xf32> to vector<64x1x128xf32>
    %mul3A_792 = vector.broadcast %broadcast_in_dim3A_791 : vector<64x1x128xf32> to vector<64x64x128xf32>
    %mul3A_793 = arith.mulf %mul3A_776, %mul3A_792 : vector<64x64x128xf32>
    %reduce_sum3A_794 = arith.constant dense<0.000000e+00> : vector<64x128xf32>
    %reduce_sum3A_795 = vector.multi_reduction <add>, %mul3A_793, %reduce_sum3A_794 [0] : vector<64x64x128xf32> to vector<64x128xf32>
    %mul3A_796 = arith.constant 5.000000e-02 : f32
    %mul3A_797 = vector.broadcast %mul3A_796 : f32 to vector<64x128xf32>
    %mul3A_798 = arith.mulf %mul3A_797, %reduce_sum3A_795 : vector<64x128xf32>
    %add3A_799 = arith.addf %add3A_790, %mul3A_798 : vector<64x128xf32>
    %broadcast_in_dim3A_800 = vector.shape_cast %add3A_799 : vector<64x128xf32> to vector<64x1x128xf32>
    %mul3A_801 = vector.broadcast %broadcast_in_dim3A_800 : vector<64x1x128xf32> to vector<64x64x128xf32>
    %mul3A_802 = arith.mulf %mul3A_776, %mul3A_801 : vector<64x64x128xf32>
    %reduce_sum3A_803 = arith.constant dense<0.000000e+00> : vector<64x128xf32>
    %reduce_sum3A_804 = vector.multi_reduction <add>, %mul3A_802, %reduce_sum3A_803 [0] : vector<64x64x128xf32> to vector<64x128xf32>
    %mul3A_805 = arith.constant 2.500000e-02 : f32
    %mul3A_806 = vector.broadcast %mul3A_805 : f32 to vector<64x128xf32>
    %mul3A_807 = arith.mulf %mul3A_806, %reduce_sum3A_804 : vector<64x128xf32>
    %add3A_808 = arith.addf %add3A_799, %mul3A_807 : vector<64x128xf32>
    %get3A_809 = arith.constant 0 : index
    %get3A_810 = arith.constant 0 : index
    %get3A_811 = vector.load %arg7[%get3A_809, %get3A_810] : memref<128x64xf32, #tpu.memory_space<vmem>>, vector<128x64xf32>
    %dot_general3A_812 = arith.constant dense<0.000000e+00> : vector<64x64xf32>
    %dot_general3A_813 = tpu.matmul %add3A_808, %get3A_811, %dot_general3A_812 {dimension_numbers = #tpu.dot_dimension_numbers<[1], [0], [0], [1], [0, 0, 1, 1], [], []>, transpose_lhs_hint = false} : vector<64x128xf32>, vector<128x64xf32>, vector<64x64xf32> -> vector<64x64xf32>
    %get3A_814 = arith.constant 0 : index
    %get3A_815 = arith.constant 0 : index
    %get3A_816 = vector.load %arg8[%get3A_814, %get3A_815] : memref<1x64xf32, #tpu.memory_space<vmem>>, vector<1x64xf32>
    %add3A_817 = vector.broadcast %get3A_816 : vector<1x64xf32> to vector<64x64xf32>
    %add3A_818 = arith.addf %dot_general3A_813, %add3A_817 : vector<64x64xf32>
    %tanh3A_819 = math.tanh %add3A_818 : vector<64x64xf32>
    %get3A_820 = arith.constant 0 : index
    %get3A_821 = arith.constant 0 : index
    %get3A_822 = vector.load %arg9[%get3A_820, %get3A_821] : memref<64x1xf32, #tpu.memory_space<vmem>>, vector<64x1xf32>
    %dot_general3A_823 = arith.constant dense<0.000000e+00> : vector<64x1xf32>
    %dot_general3A_824 = tpu.matmul %tanh3A_819, %get3A_822, %dot_general3A_823 {dimension_numbers = #tpu.dot_dimension_numbers<[1], [0], [0], [1], [0, 0, 1, 1], [], []>, transpose_lhs_hint = false} : vector<64x64xf32>, vector<64x1xf32>, vector<64x1xf32> -> vector<64x1xf32>
    %get3A_825 = arith.constant 0 : index
    %get3A_826 = arith.constant 0 : index
    %get3A_827 = vector.load %arg10[%get3A_825, %get3A_826] : memref<1x1xf32, #tpu.memory_space<vmem>>, vector<1x1xf32>
    %add3A_828 = vector.broadcast %get3A_827 : vector<1x1xf32> to vector<64x1xf32>
    %add3A_829 = arith.addf %dot_general3A_824, %add3A_828 : vector<64x1xf32>
    %mul3A_830 = arith.constant 16 : i32
    %mul3A_831 = arith.muli %mul3A_830, %arg0 : i32
    %add3A_832 = arith.constant 8 : i32
    %add3A_833 = arith.addi %mul3A_831, %add3A_832 : i32
    %reduce_sum3A_834 = arith.constant dense<0.000000e+00> : vector<1xf32>
    %reduce_sum3A_835 = vector.multi_reduction <add>, %add3A_829, %reduce_sum3A_834 [0] : vector<64x1xf32> to vector<1xf32>
    %broadcast_in_dim3A_836 = vector.shape_cast %reduce_sum3A_835 : vector<1xf32> to vector<1x1xf32>
    %swap3A_837 = arith.index_cast %add3A_833 : i32 to index
    %swap3A_838 = arith.constant 0 : index
    %swap3A_839 = vector.load %arg11[%swap3A_837, %swap3A_838] : memref<32x1xf32, #tpu.memory_space<vmem>>, vector<1x1xf32>
    tpu.vector_store %arg11[%swap3A_837, %swap3A_838], %broadcast_in_dim3A_836 {strides = array<i32>} : memref<32x1xf32, #tpu.memory_space<vmem>>, vector<1x1xf32>,
    %get3A_840 = arith.constant 9 : index
    %get3A_841 = arith.constant 0 : index
    %get3A_842 = arith.constant 0 : index
    %get3A_843 = vector.load %arg2[%get3A_840, %get3A_841, %get3A_842] : memref<16x1x4096xf32, #tpu.memory_space<vmem>>, vector<1x1x4096xf32>
    %get3A_844 = vector.shape_cast %get3A_843 : vector<1x1x4096xf32> to vector<1x4096xf32>
    %sub3A_845 = vector.broadcast %get3A_844 : vector<1x4096xf32> to vector<16x4096xf32>
    %sub3A_846 = vector.broadcast %mul3A_1 : vector<16x1xf32> to vector<16x4096xf32>
    %sub3A_847 = arith.subf %sub3A_845, %sub3A_846 : vector<16x4096xf32>
    %integer_pow3A_848 = arith.mulf %sub3A_847, %sub3A_847 : vector<16x4096xf32>
    %mul3A_849 = arith.constant -2.000000e+00 : f32
    %mul3A_850 = vector.broadcast %mul3A_849 : f32 to vector<16x4096xf32>
    %mul3A_851 = arith.mulf %mul3A_850, %integer_pow3A_848 : vector<16x4096xf32>
    %exp3A_852 = math.exp %mul3A_851 : vector<16x4096xf32>
    %concatenate3A_853 = tpu.concatenate %exp3A_852, %broadcast_in_dim3A_11 in 0 : vector<16x4096xf32>, vector<1x4096xf32> -> vector<17x4096xf32>
    %dot_general3A_854 = arith.constant dense<0.000000e+00> : vector<4096x128xf32>
    %dot_general3A_855 = tpu.matmul %concatenate3A_853, %concatenate3A, %dot_general3A_854 {dimension_numbers = #tpu.dot_dimension_numbers<[0], [0], [1], [1], [0, 1, 1, 1], [], []>, transpose_lhs_hint = false} : vector<17x4096xf32>, vector<17x128xf32>, vector<4096x128xf32> -> vector<4096x128xf32>
    %tanh3A_856 = math.tanh %dot_general3A_855 : vector<4096x128xf32>
    %get3A_857 = arith.constant 0 : index
    %get3A_858 = arith.constant 0 : index
    %get3A_859 = vector.load %arg5[%get3A_857, %get3A_858] : memref<128x128xf32, #tpu.memory_space<vmem>>, vector<128x128xf32>
    %dot_general3A_860 = arith.constant dense<0.000000e+00> : vector<4096x128xf32>
    %dot_general3A_861 = tpu.matmul %tanh3A_856, %get3A_859, %dot_general3A_860 {dimension_numbers = #tpu.dot_dimension_numbers<[1], [0], [0], [1], [0, 0, 1, 1], [], []>, transpose_lhs_hint = false} : vector<4096x128xf32>, vector<128x128xf32>, vector<4096x128xf32> -> vector<4096x128xf32>
    %get3A_862 = arith.constant 0 : index
    %get3A_863 = arith.constant 0 : index
    %get3A_864 = vector.load %arg6[%get3A_862, %get3A_863] : memref<1x128xf32, #tpu.memory_space<vmem>>, vector<1x128xf32>
    %add3A_865 = vector.broadcast %get3A_864 : vector<1x128xf32> to vector<4096x128xf32>
    %add3A_866 = arith.addf %dot_general3A_861, %add3A_865 : vector<4096x128xf32>
    %reshape3A_867 = vector.shape_cast %add3A_866 : vector<4096x128xf32> to vector<64x64x128xf32>
    %mul3A_868 = vector.broadcast %convert_element_type3A_5 : vector<64x64x1xf32> to vector<64x64x128xf32>
    %mul3A_869 = arith.mulf %reshape3A_867, %mul3A_868 : vector<64x64x128xf32>
    %get3A_870 = arith.constant 9 : index
    %get3A_871 = arith.constant 0 : index
    %get3A_872 = arith.constant 0 : index
    %get3A_873 = vector.load %arg1[%get3A_870, %get3A_871, %get3A_872] : memref<16x64x128xf32, #tpu.memory_space<vmem>>, vector<1x64x128xf32>
    %get3A_874 = vector.shape_cast %get3A_873 : vector<1x64x128xf32> to vector<64x128xf32>
    %broadcast_in_dim3A_875 = vector.shape_cast %get3A_874 : vector<64x128xf32> to vector<64x1x128xf32>
    %mul3A_876 = vector.broadcast %broadcast_in_dim3A_875 : vector<64x1x128xf32> to vector<64x64x128xf32>
    %mul3A_877 = arith.mulf %mul3A_869, %mul3A_876 : vector<64x64x128xf32>
    %reduce_sum3A_878 = arith.constant dense<0.000000e+00> : vector<64x128xf32>
    %reduce_sum3A_879 = vector.multi_reduction <add>, %mul3A_877, %reduce_sum3A_878 [0] : vector<64x64x128xf32> to vector<64x128xf32>
    %mul3A_880 = arith.constant 1.000000e-01 : f32
    %mul3A_881 = vector.broadcast %mul3A_880 : f32 to vector<64x128xf32>
    %mul3A_882 = arith.mulf %mul3A_881, %reduce_sum3A_879 : vector<64x128xf32>
    %add3A_883 = arith.addf %get3A_874, %mul3A_882 : vector<64x128xf32>
    %broadcast_in_dim3A_884 = vector.shape_cast %add3A_883 : vector<64x128xf32> to vector<64x1x128xf32>
    %mul3A_885 = vector.broadcast %broadcast_in_dim3A_884 : vector<64x1x128xf32> to vector<64x64x128xf32>
    %mul3A_886 = arith.mulf %mul3A_869, %mul3A_885 : vector<64x64x128xf32>
    %reduce_sum3A_887 = arith.constant dense<0.000000e+00> : vector<64x128xf32>
    %reduce_sum3A_888 = vector.multi_reduction <add>, %mul3A_886, %reduce_sum3A_887 [0] : vector<64x64x128xf32> to vector<64x128xf32>
    %mul3A_889 = arith.constant 5.000000e-02 : f32
    %mul3A_890 = vector.broadcast %mul3A_889 : f32 to vector<64x128xf32>
    %mul3A_891 = arith.mulf %mul3A_890, %reduce_sum3A_888 : vector<64x128xf32>
    %add3A_892 = arith.addf %add3A_883, %mul3A_891 : vector<64x128xf32>
    %broadcast_in_dim3A_893 = vector.shape_cast %add3A_892 : vector<64x128xf32> to vector<64x1x128xf32>
    %mul3A_894 = vector.broadcast %broadcast_in_dim3A_893 : vector<64x1x128xf32> to vector<64x64x128xf32>
    %mul3A_895 = arith.mulf %mul3A_869, %mul3A_894 : vector<64x64x128xf32>
    %reduce_sum3A_896 = arith.constant dense<0.000000e+00> : vector<64x128xf32>
    %reduce_sum3A_897 = vector.multi_reduction <add>, %mul3A_895, %reduce_sum3A_896 [0] : vector<64x64x128xf32> to vector<64x128xf32>
    %mul3A_898 = arith.constant 2.500000e-02 : f32
    %mul3A_899 = vector.broadcast %mul3A_898 : f32 to vector<64x128xf32>
    %mul3A_900 = arith.mulf %mul3A_899, %reduce_sum3A_897 : vector<64x128xf32>
    %add3A_901 = arith.addf %add3A_892, %mul3A_900 : vector<64x128xf32>
    %get3A_902 = arith.constant 0 : index
    %get3A_903 = arith.constant 0 : index
    %get3A_904 = vector.load %arg7[%get3A_902, %get3A_903] : memref<128x64xf32, #tpu.memory_space<vmem>>, vector<128x64xf32>
    %dot_general3A_905 = arith.constant dense<0.000000e+00> : vector<64x64xf32>
    %dot_general3A_906 = tpu.matmul %add3A_901, %get3A_904, %dot_general3A_905 {dimension_numbers = #tpu.dot_dimension_numbers<[1], [0], [0], [1], [0, 0, 1, 1], [], []>, transpose_lhs_hint = false} : vector<64x128xf32>, vector<128x64xf32>, vector<64x64xf32> -> vector<64x64xf32>
    %get3A_907 = arith.constant 0 : index
    %get3A_908 = arith.constant 0 : index
    %get3A_909 = vector.load %arg8[%get3A_907, %get3A_908] : memref<1x64xf32, #tpu.memory_space<vmem>>, vector<1x64xf32>
    %add3A_910 = vector.broadcast %get3A_909 : vector<1x64xf32> to vector<64x64xf32>
    %add3A_911 = arith.addf %dot_general3A_906, %add3A_910 : vector<64x64xf32>
    %tanh3A_912 = math.tanh %add3A_911 : vector<64x64xf32>
    %get3A_913 = arith.constant 0 : index
    %get3A_914 = arith.constant 0 : index
    %get3A_915 = vector.load %arg9[%get3A_913, %get3A_914] : memref<64x1xf32, #tpu.memory_space<vmem>>, vector<64x1xf32>
    %dot_general3A_916 = arith.constant dense<0.000000e+00> : vector<64x1xf32>
    %dot_general3A_917 = tpu.matmul %tanh3A_912, %get3A_915, %dot_general3A_916 {dimension_numbers = #tpu.dot_dimension_numbers<[1], [0], [0], [1], [0, 0, 1, 1], [], []>, transpose_lhs_hint = false} : vector<64x64xf32>, vector<64x1xf32>, vector<64x1xf32> -> vector<64x1xf32>
    %get3A_918 = arith.constant 0 : index
    %get3A_919 = arith.constant 0 : index
    %get3A_920 = vector.load %arg10[%get3A_918, %get3A_919] : memref<1x1xf32, #tpu.memory_space<vmem>>, vector<1x1xf32>
    %add3A_921 = vector.broadcast %get3A_920 : vector<1x1xf32> to vector<64x1xf32>
    %add3A_922 = arith.addf %dot_general3A_917, %add3A_921 : vector<64x1xf32>
    %mul3A_923 = arith.constant 16 : i32
    %mul3A_924 = arith.muli %mul3A_923, %arg0 : i32
    %add3A_925 = arith.constant 9 : i32
    %add3A_926 = arith.addi %mul3A_924, %add3A_925 : i32
    %reduce_sum3A_927 = arith.constant dense<0.000000e+00> : vector<1xf32>
    %reduce_sum3A_928 = vector.multi_reduction <add>, %add3A_922, %reduce_sum3A_927 [0] : vector<64x1xf32> to vector<1xf32>
    %broadcast_in_dim3A_929 = vector.shape_cast %reduce_sum3A_928 : vector<1xf32> to vector<1x1xf32>
    %swap3A_930 = arith.index_cast %add3A_926 : i32 to index
    %swap3A_931 = arith.constant 0 : index
    %swap3A_932 = vector.load %arg11[%swap3A_930, %swap3A_931] : memref<32x1xf32, #tpu.memory_space<vmem>>, vector<1x1xf32>
    tpu.vector_store %arg11[%swap3A_930, %swap3A_931], %broadcast_in_dim3A_929 {strides = array<i32>} : memref<32x1xf32, #tpu.memory_space<vmem>>, vector<1x1xf32>,
    %get3A_933 = arith.constant 10 : index
    %get3A_934 = arith.constant 0 : index
    %get3A_935 = arith.constant 0 : index
    %get3A_936 = vector.load %arg2[%get3A_933, %get3A_934, %get3A_935] : memref<16x1x4096xf32, #tpu.memory_space<vmem>>, vector<1x1x4096xf32>
    %get3A_937 = vector.shape_cast %get3A_936 : vector<1x1x4096xf32> to vector<1x4096xf32>
    %sub3A_938 = vector.broadcast %get3A_937 : vector<1x4096xf32> to vector<16x4096xf32>
    %sub3A_939 = vector.broadcast %mul3A_1 : vector<16x1xf32> to vector<16x4096xf32>
    %sub3A_940 = arith.subf %sub3A_938, %sub3A_939 : vector<16x4096xf32>
    %integer_pow3A_941 = arith.mulf %sub3A_940, %sub3A_940 : vector<16x4096xf32>
    %mul3A_942 = arith.constant -2.000000e+00 : f32
    %mul3A_943 = vector.broadcast %mul3A_942 : f32 to vector<16x4096xf32>
    %mul3A_944 = arith.mulf %mul3A_943, %integer_pow3A_941 : vector<16x4096xf32>
    %exp3A_945 = math.exp %mul3A_944 : vector<16x4096xf32>
    %concatenate3A_946 = tpu.concatenate %exp3A_945, %broadcast_in_dim3A_11 in 0 : vector<16x4096xf32>, vector<1x4096xf32> -> vector<17x4096xf32>
    %dot_general3A_947 = arith.constant dense<0.000000e+00> : vector<4096x128xf32>
    %dot_general3A_948 = tpu.matmul %concatenate3A_946, %concatenate3A, %dot_general3A_947 {dimension_numbers = #tpu.dot_dimension_numbers<[0], [0], [1], [1], [0, 1, 1, 1], [], []>, transpose_lhs_hint = false} : vector<17x4096xf32>, vector<17x128xf32>, vector<4096x128xf32> -> vector<4096x128xf32>
    %tanh3A_949 = math.tanh %dot_general3A_948 : vector<4096x128xf32>
    %get3A_950 = arith.constant 0 : index
    %get3A_951 = arith.constant 0 : index
    %get3A_952 = vector.load %arg5[%get3A_950, %get3A_951] : memref<128x128xf32, #tpu.memory_space<vmem>>, vector<128x128xf32>
    %dot_general3A_953 = arith.constant dense<0.000000e+00> : vector<4096x128xf32>
    %dot_general3A_954 = tpu.matmul %tanh3A_949, %get3A_952, %dot_general3A_953 {dimension_numbers = #tpu.dot_dimension_numbers<[1], [0], [0], [1], [0, 0, 1, 1], [], []>, transpose_lhs_hint = false} : vector<4096x128xf32>, vector<128x128xf32>, vector<4096x128xf32> -> vector<4096x128xf32>
    %get3A_955 = arith.constant 0 : index
    %get3A_956 = arith.constant 0 : index
    %get3A_957 = vector.load %arg6[%get3A_955, %get3A_956] : memref<1x128xf32, #tpu.memory_space<vmem>>, vector<1x128xf32>
    %add3A_958 = vector.broadcast %get3A_957 : vector<1x128xf32> to vector<4096x128xf32>
    %add3A_959 = arith.addf %dot_general3A_954, %add3A_958 : vector<4096x128xf32>
    %reshape3A_960 = vector.shape_cast %add3A_959 : vector<4096x128xf32> to vector<64x64x128xf32>
    %mul3A_961 = vector.broadcast %convert_element_type3A_5 : vector<64x64x1xf32> to vector<64x64x128xf32>
    %mul3A_962 = arith.mulf %reshape3A_960, %mul3A_961 : vector<64x64x128xf32>
    %get3A_963 = arith.constant 10 : index
    %get3A_964 = arith.constant 0 : index
    %get3A_965 = arith.constant 0 : index
    %get3A_966 = vector.load %arg1[%get3A_963, %get3A_964, %get3A_965] : memref<16x64x128xf32, #tpu.memory_space<vmem>>, vector<1x64x128xf32>
    %get3A_967 = vector.shape_cast %get3A_966 : vector<1x64x128xf32> to vector<64x128xf32>
    %broadcast_in_dim3A_968 = vector.shape_cast %get3A_967 : vector<64x128xf32> to vector<64x1x128xf32>
    %mul3A_969 = vector.broadcast %broadcast_in_dim3A_968 : vector<64x1x128xf32> to vector<64x64x128xf32>
    %mul3A_970 = arith.mulf %mul3A_962, %mul3A_969 : vector<64x64x128xf32>
    %reduce_sum3A_971 = arith.constant dense<0.000000e+00> : vector<64x128xf32>
    %reduce_sum3A_972 = vector.multi_reduction <add>, %mul3A_970, %reduce_sum3A_971 [0] : vector<64x64x128xf32> to vector<64x128xf32>
    %mul3A_973 = arith.constant 1.000000e-01 : f32
    %mul3A_974 = vector.broadcast %mul3A_973 : f32 to vector<64x128xf32>
    %mul3A_975 = arith.mulf %mul3A_974, %reduce_sum3A_972 : vector<64x128xf32>
    %add3A_976 = arith.addf %get3A_967, %mul3A_975 : vector<64x128xf32>
    %broadcast_in_dim3A_977 = vector.shape_cast %add3A_976 : vector<64x128xf32> to vector<64x1x128xf32>
    %mul3A_978 = vector.broadcast %broadcast_in_dim3A_977 : vector<64x1x128xf32> to vector<64x64x128xf32>
    %mul3A_979 = arith.mulf %mul3A_962, %mul3A_978 : vector<64x64x128xf32>
    %reduce_sum3A_980 = arith.constant dense<0.000000e+00> : vector<64x128xf32>
    %reduce_sum3A_981 = vector.multi_reduction <add>, %mul3A_979, %reduce_sum3A_980 [0] : vector<64x64x128xf32> to vector<64x128xf32>
    %mul3A_982 = arith.constant 5.000000e-02 : f32
    %mul3A_983 = vector.broadcast %mul3A_982 : f32 to vector<64x128xf32>
    %mul3A_984 = arith.mulf %mul3A_983, %reduce_sum3A_981 : vector<64x128xf32>
    %add3A_985 = arith.addf %add3A_976, %mul3A_984 : vector<64x128xf32>
    %broadcast_in_dim3A_986 = vector.shape_cast %add3A_985 : vector<64x128xf32> to vector<64x1x128xf32>
    %mul3A_987 = vector.broadcast %broadcast_in_dim3A_986 : vector<64x1x128xf32> to vector<64x64x128xf32>
    %mul3A_988 = arith.mulf %mul3A_962, %mul3A_987 : vector<64x64x128xf32>
    %reduce_sum3A_989 = arith.constant dense<0.000000e+00> : vector<64x128xf32>
    %reduce_sum3A_990 = vector.multi_reduction <add>, %mul3A_988, %reduce_sum3A_989 [0] : vector<64x64x128xf32> to vector<64x128xf32>
    %mul3A_991 = arith.constant 2.500000e-02 : f32
    %mul3A_992 = vector.broadcast %mul3A_991 : f32 to vector<64x128xf32>
    %mul3A_993 = arith.mulf %mul3A_992, %reduce_sum3A_990 : vector<64x128xf32>
    %add3A_994 = arith.addf %add3A_985, %mul3A_993 : vector<64x128xf32>
    %get3A_995 = arith.constant 0 : index
    %get3A_996 = arith.constant 0 : index
    %get3A_997 = vector.load %arg7[%get3A_995, %get3A_996] : memref<128x64xf32, #tpu.memory_space<vmem>>, vector<128x64xf32>
    %dot_general3A_998 = arith.constant dense<0.000000e+00> : vector<64x64xf32>
    %dot_general3A_999 = tpu.matmul %add3A_994, %get3A_997, %dot_general3A_998 {dimension_numbers = #tpu.dot_dimension_numbers<[1], [0], [0], [1], [0, 0, 1, 1], [], []>, transpose_lhs_hint = false} : vector<64x128xf32>, vector<128x64xf32>, vector<64x64xf32> -> vector<64x64xf32>
    %get3A_1000 = arith.constant 0 : index
    %get3A_1001 = arith.constant 0 : index
    %get3A_1002 = vector.load %arg8[%get3A_1000, %get3A_1001] : memref<1x64xf32, #tpu.memory_space<vmem>>, vector<1x64xf32>
    %add3A_1003 = vector.broadcast %get3A_1002 : vector<1x64xf32> to vector<64x64xf32>
    %add3A_1004 = arith.addf %dot_general3A_999, %add3A_1003 : vector<64x64xf32>
    %tanh3A_1005 = math.tanh %add3A_1004 : vector<64x64xf32>
    %get3A_1006 = arith.constant 0 : index
    %get3A_1007 = arith.constant 0 : index
    %get3A_1008 = vector.load %arg9[%get3A_1006, %get3A_1007] : memref<64x1xf32, #tpu.memory_space<vmem>>, vector<64x1xf32>
    %dot_general3A_1009 = arith.constant dense<0.000000e+00> : vector<64x1xf32>
    %dot_general3A_1010 = tpu.matmul %tanh3A_1005, %get3A_1008, %dot_general3A_1009 {dimension_numbers = #tpu.dot_dimension_numbers<[1], [0], [0], [1], [0, 0, 1, 1], [], []>, transpose_lhs_hint = false} : vector<64x64xf32>, vector<64x1xf32>, vector<64x1xf32> -> vector<64x1xf32>
    %get3A_1011 = arith.constant 0 : index
    %get3A_1012 = arith.constant 0 : index
    %get3A_1013 = vector.load %arg10[%get3A_1011, %get3A_1012] : memref<1x1xf32, #tpu.memory_space<vmem>>, vector<1x1xf32>
    %add3A_1014 = vector.broadcast %get3A_1013 : vector<1x1xf32> to vector<64x1xf32>
    %add3A_1015 = arith.addf %dot_general3A_1010, %add3A_1014 : vector<64x1xf32>
    %mul3A_1016 = arith.constant 16 : i32
    %mul3A_1017 = arith.muli %mul3A_1016, %arg0 : i32
    %add3A_1018 = arith.constant 10 : i32
    %add3A_1019 = arith.addi %mul3A_1017, %add3A_1018 : i32
    %reduce_sum3A_1020 = arith.constant dense<0.000000e+00> : vector<1xf32>
    %reduce_sum3A_1021 = vector.multi_reduction <add>, %add3A_1015, %reduce_sum3A_1020 [0] : vector<64x1xf32> to vector<1xf32>
    %broadcast_in_dim3A_1022 = vector.shape_cast %reduce_sum3A_1021 : vector<1xf32> to vector<1x1xf32>
    %swap3A_1023 = arith.index_cast %add3A_1019 : i32 to index
    %swap3A_1024 = arith.constant 0 : index
    %swap3A_1025 = vector.load %arg11[%swap3A_1023, %swap3A_1024] : memref<32x1xf32, #tpu.memory_space<vmem>>, vector<1x1xf32>
    tpu.vector_store %arg11[%swap3A_1023, %swap3A_1024], %broadcast_in_dim3A_1022 {strides = array<i32>} : memref<32x1xf32, #tpu.memory_space<vmem>>, vector<1x1xf32>,
    %get3A_1026 = arith.constant 11 : index
    %get3A_1027 = arith.constant 0 : index
    %get3A_1028 = arith.constant 0 : index
    %get3A_1029 = vector.load %arg2[%get3A_1026, %get3A_1027, %get3A_1028] : memref<16x1x4096xf32, #tpu.memory_space<vmem>>, vector<1x1x4096xf32>
    %get3A_1030 = vector.shape_cast %get3A_1029 : vector<1x1x4096xf32> to vector<1x4096xf32>
    %sub3A_1031 = vector.broadcast %get3A_1030 : vector<1x4096xf32> to vector<16x4096xf32>
    %sub3A_1032 = vector.broadcast %mul3A_1 : vector<16x1xf32> to vector<16x4096xf32>
    %sub3A_1033 = arith.subf %sub3A_1031, %sub3A_1032 : vector<16x4096xf32>
    %integer_pow3A_1034 = arith.mulf %sub3A_1033, %sub3A_1033 : vector<16x4096xf32>
    %mul3A_1035 = arith.constant -2.000000e+00 : f32
    %mul3A_1036 = vector.broadcast %mul3A_1035 : f32 to vector<16x4096xf32>
    %mul3A_1037 = arith.mulf %mul3A_1036, %integer_pow3A_1034 : vector<16x4096xf32>
    %exp3A_1038 = math.exp %mul3A_1037 : vector<16x4096xf32>
    %concatenate3A_1039 = tpu.concatenate %exp3A_1038, %broadcast_in_dim3A_11 in 0 : vector<16x4096xf32>, vector<1x4096xf32> -> vector<17x4096xf32>
    %dot_general3A_1040 = arith.constant dense<0.000000e+00> : vector<4096x128xf32>
    %dot_general3A_1041 = tpu.matmul %concatenate3A_1039, %concatenate3A, %dot_general3A_1040 {dimension_numbers = #tpu.dot_dimension_numbers<[0], [0], [1], [1], [0, 1, 1, 1], [], []>, transpose_lhs_hint = false} : vector<17x4096xf32>, vector<17x128xf32>, vector<4096x128xf32> -> vector<4096x128xf32>
    %tanh3A_1042 = math.tanh %dot_general3A_1041 : vector<4096x128xf32>
    %get3A_1043 = arith.constant 0 : index
    %get3A_1044 = arith.constant 0 : index
    %get3A_1045 = vector.load %arg5[%get3A_1043, %get3A_1044] : memref<128x128xf32, #tpu.memory_space<vmem>>, vector<128x128xf32>
    %dot_general3A_1046 = arith.constant dense<0.000000e+00> : vector<4096x128xf32>
    %dot_general3A_1047 = tpu.matmul %tanh3A_1042, %get3A_1045, %dot_general3A_1046 {dimension_numbers = #tpu.dot_dimension_numbers<[1], [0], [0], [1], [0, 0, 1, 1], [], []>, transpose_lhs_hint = false} : vector<4096x128xf32>, vector<128x128xf32>, vector<4096x128xf32> -> vector<4096x128xf32>
    %get3A_1048 = arith.constant 0 : index
    %get3A_1049 = arith.constant 0 : index
    %get3A_1050 = vector.load %arg6[%get3A_1048, %get3A_1049] : memref<1x128xf32, #tpu.memory_space<vmem>>, vector<1x128xf32>
    %add3A_1051 = vector.broadcast %get3A_1050 : vector<1x128xf32> to vector<4096x128xf32>
    %add3A_1052 = arith.addf %dot_general3A_1047, %add3A_1051 : vector<4096x128xf32>
    %reshape3A_1053 = vector.shape_cast %add3A_1052 : vector<4096x128xf32> to vector<64x64x128xf32>
    %mul3A_1054 = vector.broadcast %convert_element_type3A_5 : vector<64x64x1xf32> to vector<64x64x128xf32>
    %mul3A_1055 = arith.mulf %reshape3A_1053, %mul3A_1054 : vector<64x64x128xf32>
    %get3A_1056 = arith.constant 11 : index
    %get3A_1057 = arith.constant 0 : index
    %get3A_1058 = arith.constant 0 : index
    %get3A_1059 = vector.load %arg1[%get3A_1056, %get3A_1057, %get3A_1058] : memref<16x64x128xf32, #tpu.memory_space<vmem>>, vector<1x64x128xf32>
    %get3A_1060 = vector.shape_cast %get3A_1059 : vector<1x64x128xf32> to vector<64x128xf32>
    %broadcast_in_dim3A_1061 = vector.shape_cast %get3A_1060 : vector<64x128xf32> to vector<64x1x128xf32>
    %mul3A_1062 = vector.broadcast %broadcast_in_dim3A_1061 : vector<64x1x128xf32> to vector<64x64x128xf32>
    %mul3A_1063 = arith.mulf %mul3A_1055, %mul3A_1062 : vector<64x64x128xf32>
    %reduce_sum3A_1064 = arith.constant dense<0.000000e+00> : vector<64x128xf32>
    %reduce_sum3A_1065 = vector.multi_reduction <add>, %mul3A_1063, %reduce_sum3A_1064 [0] : vector<64x64x128xf32> to vector<64x128xf32>
    %mul3A_1066 = arith.constant 1.000000e-01 : f32
    %mul3A_1067 = vector.broadcast %mul3A_1066 : f32 to vector<64x128xf32>
    %mul3A_1068 = arith.mulf %mul3A_1067, %reduce_sum3A_1065 : vector<64x128xf32>
    %add3A_1069 = arith.addf %get3A_1060, %mul3A_1068 : vector<64x128xf32>
    %broadcast_in_dim3A_1070 = vector.shape_cast %add3A_1069 : vector<64x128xf32> to vector<64x1x128xf32>
    %mul3A_1071 = vector.broadcast %broadcast_in_dim3A_1070 : vector<64x1x128xf32> to vector<64x64x128xf32>
    %mul3A_1072 = arith.mulf %mul3A_1055, %mul3A_1071 : vector<64x64x128xf32>
    %reduce_sum3A_1073 = arith.constant dense<0.000000e+00> : vector<64x128xf32>
    %reduce_sum3A_1074 = vector.multi_reduction <add>, %mul3A_1072, %reduce_sum3A_1073 [0] : vector<64x64x128xf32> to vector<64x128xf32>
    %mul3A_1075 = arith.constant 5.000000e-02 : f32
    %mul3A_1076 = vector.broadcast %mul3A_1075 : f32 to vector<64x128xf32>
    %mul3A_1077 = arith.mulf %mul3A_1076, %reduce_sum3A_1074 : vector<64x128xf32>
    %add3A_1078 = arith.addf %add3A_1069, %mul3A_1077 : vector<64x128xf32>
    %broadcast_in_dim3A_1079 = vector.shape_cast %add3A_1078 : vector<64x128xf32> to vector<64x1x128xf32>
    %mul3A_1080 = vector.broadcast %broadcast_in_dim3A_1079 : vector<64x1x128xf32> to vector<64x64x128xf32>
    %mul3A_1081 = arith.mulf %mul3A_1055, %mul3A_1080 : vector<64x64x128xf32>
    %reduce_sum3A_1082 = arith.constant dense<0.000000e+00> : vector<64x128xf32>
    %reduce_sum3A_1083 = vector.multi_reduction <add>, %mul3A_1081, %reduce_sum3A_1082 [0] : vector<64x64x128xf32> to vector<64x128xf32>
    %mul3A_1084 = arith.constant 2.500000e-02 : f32
    %mul3A_1085 = vector.broadcast %mul3A_1084 : f32 to vector<64x128xf32>
    %mul3A_1086 = arith.mulf %mul3A_1085, %reduce_sum3A_1083 : vector<64x128xf32>
    %add3A_1087 = arith.addf %add3A_1078, %mul3A_1086 : vector<64x128xf32>
    %get3A_1088 = arith.constant 0 : index
    %get3A_1089 = arith.constant 0 : index
    %get3A_1090 = vector.load %arg7[%get3A_1088, %get3A_1089] : memref<128x64xf32, #tpu.memory_space<vmem>>, vector<128x64xf32>
    %dot_general3A_1091 = arith.constant dense<0.000000e+00> : vector<64x64xf32>
    %dot_general3A_1092 = tpu.matmul %add3A_1087, %get3A_1090, %dot_general3A_1091 {dimension_numbers = #tpu.dot_dimension_numbers<[1], [0], [0], [1], [0, 0, 1, 1], [], []>, transpose_lhs_hint = false} : vector<64x128xf32>, vector<128x64xf32>, vector<64x64xf32> -> vector<64x64xf32>
    %get3A_1093 = arith.constant 0 : index
    %get3A_1094 = arith.constant 0 : index
    %get3A_1095 = vector.load %arg8[%get3A_1093, %get3A_1094] : memref<1x64xf32, #tpu.memory_space<vmem>>, vector<1x64xf32>
    %add3A_1096 = vector.broadcast %get3A_1095 : vector<1x64xf32> to vector<64x64xf32>
    %add3A_1097 = arith.addf %dot_general3A_1092, %add3A_1096 : vector<64x64xf32>
    %tanh3A_1098 = math.tanh %add3A_1097 : vector<64x64xf32>
    %get3A_1099 = arith.constant 0 : index
    %get3A_1100 = arith.constant 0 : index
    %get3A_1101 = vector.load %arg9[%get3A_1099, %get3A_1100] : memref<64x1xf32, #tpu.memory_space<vmem>>, vector<64x1xf32>
    %dot_general3A_1102 = arith.constant dense<0.000000e+00> : vector<64x1xf32>
    %dot_general3A_1103 = tpu.matmul %tanh3A_1098, %get3A_1101, %dot_general3A_1102 {dimension_numbers = #tpu.dot_dimension_numbers<[1], [0], [0], [1], [0, 0, 1, 1], [], []>, transpose_lhs_hint = false} : vector<64x64xf32>, vector<64x1xf32>, vector<64x1xf32> -> vector<64x1xf32>
    %get3A_1104 = arith.constant 0 : index
    %get3A_1105 = arith.constant 0 : index
    %get3A_1106 = vector.load %arg10[%get3A_1104, %get3A_1105] : memref<1x1xf32, #tpu.memory_space<vmem>>, vector<1x1xf32>
    %add3A_1107 = vector.broadcast %get3A_1106 : vector<1x1xf32> to vector<64x1xf32>
    %add3A_1108 = arith.addf %dot_general3A_1103, %add3A_1107 : vector<64x1xf32>
    %mul3A_1109 = arith.constant 16 : i32
    %mul3A_1110 = arith.muli %mul3A_1109, %arg0 : i32
    %add3A_1111 = arith.constant 11 : i32
    %add3A_1112 = arith.addi %mul3A_1110, %add3A_1111 : i32
    %reduce_sum3A_1113 = arith.constant dense<0.000000e+00> : vector<1xf32>
    %reduce_sum3A_1114 = vector.multi_reduction <add>, %add3A_1108, %reduce_sum3A_1113 [0] : vector<64x1xf32> to vector<1xf32>
    %broadcast_in_dim3A_1115 = vector.shape_cast %reduce_sum3A_1114 : vector<1xf32> to vector<1x1xf32>
    %swap3A_1116 = arith.index_cast %add3A_1112 : i32 to index
    %swap3A_1117 = arith.constant 0 : index
    %swap3A_1118 = vector.load %arg11[%swap3A_1116, %swap3A_1117] : memref<32x1xf32, #tpu.memory_space<vmem>>, vector<1x1xf32>
    tpu.vector_store %arg11[%swap3A_1116, %swap3A_1117], %broadcast_in_dim3A_1115 {strides = array<i32>} : memref<32x1xf32, #tpu.memory_space<vmem>>, vector<1x1xf32>,
    %get3A_1119 = arith.constant 12 : index
    %get3A_1120 = arith.constant 0 : index
    %get3A_1121 = arith.constant 0 : index
    %get3A_1122 = vector.load %arg2[%get3A_1119, %get3A_1120, %get3A_1121] : memref<16x1x4096xf32, #tpu.memory_space<vmem>>, vector<1x1x4096xf32>
    %get3A_1123 = vector.shape_cast %get3A_1122 : vector<1x1x4096xf32> to vector<1x4096xf32>
    %sub3A_1124 = vector.broadcast %get3A_1123 : vector<1x4096xf32> to vector<16x4096xf32>
    %sub3A_1125 = vector.broadcast %mul3A_1 : vector<16x1xf32> to vector<16x4096xf32>
    %sub3A_1126 = arith.subf %sub3A_1124, %sub3A_1125 : vector<16x4096xf32>
    %integer_pow3A_1127 = arith.mulf %sub3A_1126, %sub3A_1126 : vector<16x4096xf32>
    %mul3A_1128 = arith.constant -2.000000e+00 : f32
    %mul3A_1129 = vector.broadcast %mul3A_1128 : f32 to vector<16x4096xf32>
    %mul3A_1130 = arith.mulf %mul3A_1129, %integer_pow3A_1127 : vector<16x4096xf32>
    %exp3A_1131 = math.exp %mul3A_1130 : vector<16x4096xf32>
    %concatenate3A_1132 = tpu.concatenate %exp3A_1131, %broadcast_in_dim3A_11 in 0 : vector<16x4096xf32>, vector<1x4096xf32> -> vector<17x4096xf32>
    %dot_general3A_1133 = arith.constant dense<0.000000e+00> : vector<4096x128xf32>
    %dot_general3A_1134 = tpu.matmul %concatenate3A_1132, %concatenate3A, %dot_general3A_1133 {dimension_numbers = #tpu.dot_dimension_numbers<[0], [0], [1], [1], [0, 1, 1, 1], [], []>, transpose_lhs_hint = false} : vector<17x4096xf32>, vector<17x128xf32>, vector<4096x128xf32> -> vector<4096x128xf32>
    %tanh3A_1135 = math.tanh %dot_general3A_1134 : vector<4096x128xf32>
    %get3A_1136 = arith.constant 0 : index
    %get3A_1137 = arith.constant 0 : index
    %get3A_1138 = vector.load %arg5[%get3A_1136, %get3A_1137] : memref<128x128xf32, #tpu.memory_space<vmem>>, vector<128x128xf32>
    %dot_general3A_1139 = arith.constant dense<0.000000e+00> : vector<4096x128xf32>
    %dot_general3A_1140 = tpu.matmul %tanh3A_1135, %get3A_1138, %dot_general3A_1139 {dimension_numbers = #tpu.dot_dimension_numbers<[1], [0], [0], [1], [0, 0, 1, 1], [], []>, transpose_lhs_hint = false} : vector<4096x128xf32>, vector<128x128xf32>, vector<4096x128xf32> -> vector<4096x128xf32>
    %get3A_1141 = arith.constant 0 : index
    %get3A_1142 = arith.constant 0 : index
    %get3A_1143 = vector.load %arg6[%get3A_1141, %get3A_1142] : memref<1x128xf32, #tpu.memory_space<vmem>>, vector<1x128xf32>
    %add3A_1144 = vector.broadcast %get3A_1143 : vector<1x128xf32> to vector<4096x128xf32>
    %add3A_1145 = arith.addf %dot_general3A_1140, %add3A_1144 : vector<4096x128xf32>
    %reshape3A_1146 = vector.shape_cast %add3A_1145 : vector<4096x128xf32> to vector<64x64x128xf32>
    %mul3A_1147 = vector.broadcast %convert_element_type3A_5 : vector<64x64x1xf32> to vector<64x64x128xf32>
    %mul3A_1148 = arith.mulf %reshape3A_1146, %mul3A_1147 : vector<64x64x128xf32>
    %get3A_1149 = arith.constant 12 : index
    %get3A_1150 = arith.constant 0 : index
    %get3A_1151 = arith.constant 0 : index
    %get3A_1152 = vector.load %arg1[%get3A_1149, %get3A_1150, %get3A_1151] : memref<16x64x128xf32, #tpu.memory_space<vmem>>, vector<1x64x128xf32>
    %get3A_1153 = vector.shape_cast %get3A_1152 : vector<1x64x128xf32> to vector<64x128xf32>
    %broadcast_in_dim3A_1154 = vector.shape_cast %get3A_1153 : vector<64x128xf32> to vector<64x1x128xf32>
    %mul3A_1155 = vector.broadcast %broadcast_in_dim3A_1154 : vector<64x1x128xf32> to vector<64x64x128xf32>
    %mul3A_1156 = arith.mulf %mul3A_1148, %mul3A_1155 : vector<64x64x128xf32>
    %reduce_sum3A_1157 = arith.constant dense<0.000000e+00> : vector<64x128xf32>
    %reduce_sum3A_1158 = vector.multi_reduction <add>, %mul3A_1156, %reduce_sum3A_1157 [0] : vector<64x64x128xf32> to vector<64x128xf32>
    %mul3A_1159 = arith.constant 1.000000e-01 : f32
    %mul3A_1160 = vector.broadcast %mul3A_1159 : f32 to vector<64x128xf32>
    %mul3A_1161 = arith.mulf %mul3A_1160, %reduce_sum3A_1158 : vector<64x128xf32>
    %add3A_1162 = arith.addf %get3A_1153, %mul3A_1161 : vector<64x128xf32>
    %broadcast_in_dim3A_1163 = vector.shape_cast %add3A_1162 : vector<64x128xf32> to vector<64x1x128xf32>
    %mul3A_1164 = vector.broadcast %broadcast_in_dim3A_1163 : vector<64x1x128xf32> to vector<64x64x128xf32>
    %mul3A_1165 = arith.mulf %mul3A_1148, %mul3A_1164 : vector<64x64x128xf32>
    %reduce_sum3A_1166 = arith.constant dense<0.000000e+00> : vector<64x128xf32>
    %reduce_sum3A_1167 = vector.multi_reduction <add>, %mul3A_1165, %reduce_sum3A_1166 [0] : vector<64x64x128xf32> to vector<64x128xf32>
    %mul3A_1168 = arith.constant 5.000000e-02 : f32
    %mul3A_1169 = vector.broadcast %mul3A_1168 : f32 to vector<64x128xf32>
    %mul3A_1170 = arith.mulf %mul3A_1169, %reduce_sum3A_1167 : vector<64x128xf32>
    %add3A_1171 = arith.addf %add3A_1162, %mul3A_1170 : vector<64x128xf32>
    %broadcast_in_dim3A_1172 = vector.shape_cast %add3A_1171 : vector<64x128xf32> to vector<64x1x128xf32>
    %mul3A_1173 = vector.broadcast %broadcast_in_dim3A_1172 : vector<64x1x128xf32> to vector<64x64x128xf32>
    %mul3A_1174 = arith.mulf %mul3A_1148, %mul3A_1173 : vector<64x64x128xf32>
    %reduce_sum3A_1175 = arith.constant dense<0.000000e+00> : vector<64x128xf32>
    %reduce_sum3A_1176 = vector.multi_reduction <add>, %mul3A_1174, %reduce_sum3A_1175 [0] : vector<64x64x128xf32> to vector<64x128xf32>
    %mul3A_1177 = arith.constant 2.500000e-02 : f32
    %mul3A_1178 = vector.broadcast %mul3A_1177 : f32 to vector<64x128xf32>
    %mul3A_1179 = arith.mulf %mul3A_1178, %reduce_sum3A_1176 : vector<64x128xf32>
    %add3A_1180 = arith.addf %add3A_1171, %mul3A_1179 : vector<64x128xf32>
    %get3A_1181 = arith.constant 0 : index
    %get3A_1182 = arith.constant 0 : index
    %get3A_1183 = vector.load %arg7[%get3A_1181, %get3A_1182] : memref<128x64xf32, #tpu.memory_space<vmem>>, vector<128x64xf32>
    %dot_general3A_1184 = arith.constant dense<0.000000e+00> : vector<64x64xf32>
    %dot_general3A_1185 = tpu.matmul %add3A_1180, %get3A_1183, %dot_general3A_1184 {dimension_numbers = #tpu.dot_dimension_numbers<[1], [0], [0], [1], [0, 0, 1, 1], [], []>, transpose_lhs_hint = false} : vector<64x128xf32>, vector<128x64xf32>, vector<64x64xf32> -> vector<64x64xf32>
    %get3A_1186 = arith.constant 0 : index
    %get3A_1187 = arith.constant 0 : index
    %get3A_1188 = vector.load %arg8[%get3A_1186, %get3A_1187] : memref<1x64xf32, #tpu.memory_space<vmem>>, vector<1x64xf32>
    %add3A_1189 = vector.broadcast %get3A_1188 : vector<1x64xf32> to vector<64x64xf32>
    %add3A_1190 = arith.addf %dot_general3A_1185, %add3A_1189 : vector<64x64xf32>
    %tanh3A_1191 = math.tanh %add3A_1190 : vector<64x64xf32>
    %get3A_1192 = arith.constant 0 : index
    %get3A_1193 = arith.constant 0 : index
    %get3A_1194 = vector.load %arg9[%get3A_1192, %get3A_1193] : memref<64x1xf32, #tpu.memory_space<vmem>>, vector<64x1xf32>
    %dot_general3A_1195 = arith.constant dense<0.000000e+00> : vector<64x1xf32>
    %dot_general3A_1196 = tpu.matmul %tanh3A_1191, %get3A_1194, %dot_general3A_1195 {dimension_numbers = #tpu.dot_dimension_numbers<[1], [0], [0], [1], [0, 0, 1, 1], [], []>, transpose_lhs_hint = false} : vector<64x64xf32>, vector<64x1xf32>, vector<64x1xf32> -> vector<64x1xf32>
    %get3A_1197 = arith.constant 0 : index
    %get3A_1198 = arith.constant 0 : index
    %get3A_1199 = vector.load %arg10[%get3A_1197, %get3A_1198] : memref<1x1xf32, #tpu.memory_space<vmem>>, vector<1x1xf32>
    %add3A_1200 = vector.broadcast %get3A_1199 : vector<1x1xf32> to vector<64x1xf32>
    %add3A_1201 = arith.addf %dot_general3A_1196, %add3A_1200 : vector<64x1xf32>
    %mul3A_1202 = arith.constant 16 : i32
    %mul3A_1203 = arith.muli %mul3A_1202, %arg0 : i32
    %add3A_1204 = arith.constant 12 : i32
    %add3A_1205 = arith.addi %mul3A_1203, %add3A_1204 : i32
    %reduce_sum3A_1206 = arith.constant dense<0.000000e+00> : vector<1xf32>
    %reduce_sum3A_1207 = vector.multi_reduction <add>, %add3A_1201, %reduce_sum3A_1206 [0] : vector<64x1xf32> to vector<1xf32>
    %broadcast_in_dim3A_1208 = vector.shape_cast %reduce_sum3A_1207 : vector<1xf32> to vector<1x1xf32>
    %swap3A_1209 = arith.index_cast %add3A_1205 : i32 to index
    %swap3A_1210 = arith.constant 0 : index
    %swap3A_1211 = vector.load %arg11[%swap3A_1209, %swap3A_1210] : memref<32x1xf32, #tpu.memory_space<vmem>>, vector<1x1xf32>
    tpu.vector_store %arg11[%swap3A_1209, %swap3A_1210], %broadcast_in_dim3A_1208 {strides = array<i32>} : memref<32x1xf32, #tpu.memory_space<vmem>>, vector<1x1xf32>,
    %get3A_1212 = arith.constant 13 : index
    %get3A_1213 = arith.constant 0 : index
    %get3A_1214 = arith.constant 0 : index
    %get3A_1215 = vector.load %arg2[%get3A_1212, %get3A_1213, %get3A_1214] : memref<16x1x4096xf32, #tpu.memory_space<vmem>>, vector<1x1x4096xf32>
    %get3A_1216 = vector.shape_cast %get3A_1215 : vector<1x1x4096xf32> to vector<1x4096xf32>
    %sub3A_1217 = vector.broadcast %get3A_1216 : vector<1x4096xf32> to vector<16x4096xf32>
    %sub3A_1218 = vector.broadcast %mul3A_1 : vector<16x1xf32> to vector<16x4096xf32>
    %sub3A_1219 = arith.subf %sub3A_1217, %sub3A_1218 : vector<16x4096xf32>
    %integer_pow3A_1220 = arith.mulf %sub3A_1219, %sub3A_1219 : vector<16x4096xf32>
    %mul3A_1221 = arith.constant -2.000000e+00 : f32
    %mul3A_1222 = vector.broadcast %mul3A_1221 : f32 to vector<16x4096xf32>
    %mul3A_1223 = arith.mulf %mul3A_1222, %integer_pow3A_1220 : vector<16x4096xf32>
    %exp3A_1224 = math.exp %mul3A_1223 : vector<16x4096xf32>
    %concatenate3A_1225 = tpu.concatenate %exp3A_1224, %broadcast_in_dim3A_11 in 0 : vector<16x4096xf32>, vector<1x4096xf32> -> vector<17x4096xf32>
    %dot_general3A_1226 = arith.constant dense<0.000000e+00> : vector<4096x128xf32>
    %dot_general3A_1227 = tpu.matmul %concatenate3A_1225, %concatenate3A, %dot_general3A_1226 {dimension_numbers = #tpu.dot_dimension_numbers<[0], [0], [1], [1], [0, 1, 1, 1], [], []>, transpose_lhs_hint = false} : vector<17x4096xf32>, vector<17x128xf32>, vector<4096x128xf32> -> vector<4096x128xf32>
    %tanh3A_1228 = math.tanh %dot_general3A_1227 : vector<4096x128xf32>
    %get3A_1229 = arith.constant 0 : index
    %get3A_1230 = arith.constant 0 : index
    %get3A_1231 = vector.load %arg5[%get3A_1229, %get3A_1230] : memref<128x128xf32, #tpu.memory_space<vmem>>, vector<128x128xf32>
    %dot_general3A_1232 = arith.constant dense<0.000000e+00> : vector<4096x128xf32>
    %dot_general3A_1233 = tpu.matmul %tanh3A_1228, %get3A_1231, %dot_general3A_1232 {dimension_numbers = #tpu.dot_dimension_numbers<[1], [0], [0], [1], [0, 0, 1, 1], [], []>, transpose_lhs_hint = false} : vector<4096x128xf32>, vector<128x128xf32>, vector<4096x128xf32> -> vector<4096x128xf32>
    %get3A_1234 = arith.constant 0 : index
    %get3A_1235 = arith.constant 0 : index
    %get3A_1236 = vector.load %arg6[%get3A_1234, %get3A_1235] : memref<1x128xf32, #tpu.memory_space<vmem>>, vector<1x128xf32>
    %add3A_1237 = vector.broadcast %get3A_1236 : vector<1x128xf32> to vector<4096x128xf32>
    %add3A_1238 = arith.addf %dot_general3A_1233, %add3A_1237 : vector<4096x128xf32>
    %reshape3A_1239 = vector.shape_cast %add3A_1238 : vector<4096x128xf32> to vector<64x64x128xf32>
    %mul3A_1240 = vector.broadcast %convert_element_type3A_5 : vector<64x64x1xf32> to vector<64x64x128xf32>
    %mul3A_1241 = arith.mulf %reshape3A_1239, %mul3A_1240 : vector<64x64x128xf32>
    %get3A_1242 = arith.constant 13 : index
    %get3A_1243 = arith.constant 0 : index
    %get3A_1244 = arith.constant 0 : index
    %get3A_1245 = vector.load %arg1[%get3A_1242, %get3A_1243, %get3A_1244] : memref<16x64x128xf32, #tpu.memory_space<vmem>>, vector<1x64x128xf32>
    %get3A_1246 = vector.shape_cast %get3A_1245 : vector<1x64x128xf32> to vector<64x128xf32>
    %broadcast_in_dim3A_1247 = vector.shape_cast %get3A_1246 : vector<64x128xf32> to vector<64x1x128xf32>
    %mul3A_1248 = vector.broadcast %broadcast_in_dim3A_1247 : vector<64x1x128xf32> to vector<64x64x128xf32>
    %mul3A_1249 = arith.mulf %mul3A_1241, %mul3A_1248 : vector<64x64x128xf32>
    %reduce_sum3A_1250 = arith.constant dense<0.000000e+00> : vector<64x128xf32>
    %reduce_sum3A_1251 = vector.multi_reduction <add>, %mul3A_1249, %reduce_sum3A_1250 [0] : vector<64x64x128xf32> to vector<64x128xf32>
    %mul3A_1252 = arith.constant 1.000000e-01 : f32
    %mul3A_1253 = vector.broadcast %mul3A_1252 : f32 to vector<64x128xf32>
    %mul3A_1254 = arith.mulf %mul3A_1253, %reduce_sum3A_1251 : vector<64x128xf32>
    %add3A_1255 = arith.addf %get3A_1246, %mul3A_1254 : vector<64x128xf32>
    %broadcast_in_dim3A_1256 = vector.shape_cast %add3A_1255 : vector<64x128xf32> to vector<64x1x128xf32>
    %mul3A_1257 = vector.broadcast %broadcast_in_dim3A_1256 : vector<64x1x128xf32> to vector<64x64x128xf32>
    %mul3A_1258 = arith.mulf %mul3A_1241, %mul3A_1257 : vector<64x64x128xf32>
    %reduce_sum3A_1259 = arith.constant dense<0.000000e+00> : vector<64x128xf32>
    %reduce_sum3A_1260 = vector.multi_reduction <add>, %mul3A_1258, %reduce_sum3A_1259 [0] : vector<64x64x128xf32> to vector<64x128xf32>
    %mul3A_1261 = arith.constant 5.000000e-02 : f32
    %mul3A_1262 = vector.broadcast %mul3A_1261 : f32 to vector<64x128xf32>
    %mul3A_1263 = arith.mulf %mul3A_1262, %reduce_sum3A_1260 : vector<64x128xf32>
    %add3A_1264 = arith.addf %add3A_1255, %mul3A_1263 : vector<64x128xf32>
    %broadcast_in_dim3A_1265 = vector.shape_cast %add3A_1264 : vector<64x128xf32> to vector<64x1x128xf32>
    %mul3A_1266 = vector.broadcast %broadcast_in_dim3A_1265 : vector<64x1x128xf32> to vector<64x64x128xf32>
    %mul3A_1267 = arith.mulf %mul3A_1241, %mul3A_1266 : vector<64x64x128xf32>
    %reduce_sum3A_1268 = arith.constant dense<0.000000e+00> : vector<64x128xf32>
    %reduce_sum3A_1269 = vector.multi_reduction <add>, %mul3A_1267, %reduce_sum3A_1268 [0] : vector<64x64x128xf32> to vector<64x128xf32>
    %mul3A_1270 = arith.constant 2.500000e-02 : f32
    %mul3A_1271 = vector.broadcast %mul3A_1270 : f32 to vector<64x128xf32>
    %mul3A_1272 = arith.mulf %mul3A_1271, %reduce_sum3A_1269 : vector<64x128xf32>
    %add3A_1273 = arith.addf %add3A_1264, %mul3A_1272 : vector<64x128xf32>
    %get3A_1274 = arith.constant 0 : index
    %get3A_1275 = arith.constant 0 : index
    %get3A_1276 = vector.load %arg7[%get3A_1274, %get3A_1275] : memref<128x64xf32, #tpu.memory_space<vmem>>, vector<128x64xf32>
    %dot_general3A_1277 = arith.constant dense<0.000000e+00> : vector<64x64xf32>
    %dot_general3A_1278 = tpu.matmul %add3A_1273, %get3A_1276, %dot_general3A_1277 {dimension_numbers = #tpu.dot_dimension_numbers<[1], [0], [0], [1], [0, 0, 1, 1], [], []>, transpose_lhs_hint = false} : vector<64x128xf32>, vector<128x64xf32>, vector<64x64xf32> -> vector<64x64xf32>
    %get3A_1279 = arith.constant 0 : index
    %get3A_1280 = arith.constant 0 : index
    %get3A_1281 = vector.load %arg8[%get3A_1279, %get3A_1280] : memref<1x64xf32, #tpu.memory_space<vmem>>, vector<1x64xf32>
    %add3A_1282 = vector.broadcast %get3A_1281 : vector<1x64xf32> to vector<64x64xf32>
    %add3A_1283 = arith.addf %dot_general3A_1278, %add3A_1282 : vector<64x64xf32>
    %tanh3A_1284 = math.tanh %add3A_1283 : vector<64x64xf32>
    %get3A_1285 = arith.constant 0 : index
    %get3A_1286 = arith.constant 0 : index
    %get3A_1287 = vector.load %arg9[%get3A_1285, %get3A_1286] : memref<64x1xf32, #tpu.memory_space<vmem>>, vector<64x1xf32>
    %dot_general3A_1288 = arith.constant dense<0.000000e+00> : vector<64x1xf32>
    %dot_general3A_1289 = tpu.matmul %tanh3A_1284, %get3A_1287, %dot_general3A_1288 {dimension_numbers = #tpu.dot_dimension_numbers<[1], [0], [0], [1], [0, 0, 1, 1], [], []>, transpose_lhs_hint = false} : vector<64x64xf32>, vector<64x1xf32>, vector<64x1xf32> -> vector<64x1xf32>
    %get3A_1290 = arith.constant 0 : index
    %get3A_1291 = arith.constant 0 : index
    %get3A_1292 = vector.load %arg10[%get3A_1290, %get3A_1291] : memref<1x1xf32, #tpu.memory_space<vmem>>, vector<1x1xf32>
    %add3A_1293 = vector.broadcast %get3A_1292 : vector<1x1xf32> to vector<64x1xf32>
    %add3A_1294 = arith.addf %dot_general3A_1289, %add3A_1293 : vector<64x1xf32>
    %mul3A_1295 = arith.constant 16 : i32
    %mul3A_1296 = arith.muli %mul3A_1295, %arg0 : i32
    %add3A_1297 = arith.constant 13 : i32
    %add3A_1298 = arith.addi %mul3A_1296, %add3A_1297 : i32
    %reduce_sum3A_1299 = arith.constant dense<0.000000e+00> : vector<1xf32>
    %reduce_sum3A_1300 = vector.multi_reduction <add>, %add3A_1294, %reduce_sum3A_1299 [0] : vector<64x1xf32> to vector<1xf32>
    %broadcast_in_dim3A_1301 = vector.shape_cast %reduce_sum3A_1300 : vector<1xf32> to vector<1x1xf32>
    %swap3A_1302 = arith.index_cast %add3A_1298 : i32 to index
    %swap3A_1303 = arith.constant 0 : index
    %swap3A_1304 = vector.load %arg11[%swap3A_1302, %swap3A_1303] : memref<32x1xf32, #tpu.memory_space<vmem>>, vector<1x1xf32>
    tpu.vector_store %arg11[%swap3A_1302, %swap3A_1303], %broadcast_in_dim3A_1301 {strides = array<i32>} : memref<32x1xf32, #tpu.memory_space<vmem>>, vector<1x1xf32>,
    %get3A_1305 = arith.constant 14 : index
    %get3A_1306 = arith.constant 0 : index
    %get3A_1307 = arith.constant 0 : index
    %get3A_1308 = vector.load %arg2[%get3A_1305, %get3A_1306, %get3A_1307] : memref<16x1x4096xf32, #tpu.memory_space<vmem>>, vector<1x1x4096xf32>
    %get3A_1309 = vector.shape_cast %get3A_1308 : vector<1x1x4096xf32> to vector<1x4096xf32>
    %sub3A_1310 = vector.broadcast %get3A_1309 : vector<1x4096xf32> to vector<16x4096xf32>
    %sub3A_1311 = vector.broadcast %mul3A_1 : vector<16x1xf32> to vector<16x4096xf32>
    %sub3A_1312 = arith.subf %sub3A_1310, %sub3A_1311 : vector<16x4096xf32>
    %integer_pow3A_1313 = arith.mulf %sub3A_1312, %sub3A_1312 : vector<16x4096xf32>
    %mul3A_1314 = arith.constant -2.000000e+00 : f32
    %mul3A_1315 = vector.broadcast %mul3A_1314 : f32 to vector<16x4096xf32>
    %mul3A_1316 = arith.mulf %mul3A_1315, %integer_pow3A_1313 : vector<16x4096xf32>
    %exp3A_1317 = math.exp %mul3A_1316 : vector<16x4096xf32>
    %concatenate3A_1318 = tpu.concatenate %exp3A_1317, %broadcast_in_dim3A_11 in 0 : vector<16x4096xf32>, vector<1x4096xf32> -> vector<17x4096xf32>
    %dot_general3A_1319 = arith.constant dense<0.000000e+00> : vector<4096x128xf32>
    %dot_general3A_1320 = tpu.matmul %concatenate3A_1318, %concatenate3A, %dot_general3A_1319 {dimension_numbers = #tpu.dot_dimension_numbers<[0], [0], [1], [1], [0, 1, 1, 1], [], []>, transpose_lhs_hint = false} : vector<17x4096xf32>, vector<17x128xf32>, vector<4096x128xf32> -> vector<4096x128xf32>
    %tanh3A_1321 = math.tanh %dot_general3A_1320 : vector<4096x128xf32>
    %get3A_1322 = arith.constant 0 : index
    %get3A_1323 = arith.constant 0 : index
    %get3A_1324 = vector.load %arg5[%get3A_1322, %get3A_1323] : memref<128x128xf32, #tpu.memory_space<vmem>>, vector<128x128xf32>
    %dot_general3A_1325 = arith.constant dense<0.000000e+00> : vector<4096x128xf32>
    %dot_general3A_1326 = tpu.matmul %tanh3A_1321, %get3A_1324, %dot_general3A_1325 {dimension_numbers = #tpu.dot_dimension_numbers<[1], [0], [0], [1], [0, 0, 1, 1], [], []>, transpose_lhs_hint = false} : vector<4096x128xf32>, vector<128x128xf32>, vector<4096x128xf32> -> vector<4096x128xf32>
    %get3A_1327 = arith.constant 0 : index
    %get3A_1328 = arith.constant 0 : index
    %get3A_1329 = vector.load %arg6[%get3A_1327, %get3A_1328] : memref<1x128xf32, #tpu.memory_space<vmem>>, vector<1x128xf32>
    %add3A_1330 = vector.broadcast %get3A_1329 : vector<1x128xf32> to vector<4096x128xf32>
    %add3A_1331 = arith.addf %dot_general3A_1326, %add3A_1330 : vector<4096x128xf32>
    %reshape3A_1332 = vector.shape_cast %add3A_1331 : vector<4096x128xf32> to vector<64x64x128xf32>
    %mul3A_1333 = vector.broadcast %convert_element_type3A_5 : vector<64x64x1xf32> to vector<64x64x128xf32>
    %mul3A_1334 = arith.mulf %reshape3A_1332, %mul3A_1333 : vector<64x64x128xf32>
    %get3A_1335 = arith.constant 14 : index
    %get3A_1336 = arith.constant 0 : index
    %get3A_1337 = arith.constant 0 : index
    %get3A_1338 = vector.load %arg1[%get3A_1335, %get3A_1336, %get3A_1337] : memref<16x64x128xf32, #tpu.memory_space<vmem>>, vector<1x64x128xf32>
    %get3A_1339 = vector.shape_cast %get3A_1338 : vector<1x64x128xf32> to vector<64x128xf32>
    %broadcast_in_dim3A_1340 = vector.shape_cast %get3A_1339 : vector<64x128xf32> to vector<64x1x128xf32>
    %mul3A_1341 = vector.broadcast %broadcast_in_dim3A_1340 : vector<64x1x128xf32> to vector<64x64x128xf32>
    %mul3A_1342 = arith.mulf %mul3A_1334, %mul3A_1341 : vector<64x64x128xf32>
    %reduce_sum3A_1343 = arith.constant dense<0.000000e+00> : vector<64x128xf32>
    %reduce_sum3A_1344 = vector.multi_reduction <add>, %mul3A_1342, %reduce_sum3A_1343 [0] : vector<64x64x128xf32> to vector<64x128xf32>
    %mul3A_1345 = arith.constant 1.000000e-01 : f32
    %mul3A_1346 = vector.broadcast %mul3A_1345 : f32 to vector<64x128xf32>
    %mul3A_1347 = arith.mulf %mul3A_1346, %reduce_sum3A_1344 : vector<64x128xf32>
    %add3A_1348 = arith.addf %get3A_1339, %mul3A_1347 : vector<64x128xf32>
    %broadcast_in_dim3A_1349 = vector.shape_cast %add3A_1348 : vector<64x128xf32> to vector<64x1x128xf32>
    %mul3A_1350 = vector.broadcast %broadcast_in_dim3A_1349 : vector<64x1x128xf32> to vector<64x64x128xf32>
    %mul3A_1351 = arith.mulf %mul3A_1334, %mul3A_1350 : vector<64x64x128xf32>
    %reduce_sum3A_1352 = arith.constant dense<0.000000e+00> : vector<64x128xf32>
    %reduce_sum3A_1353 = vector.multi_reduction <add>, %mul3A_1351, %reduce_sum3A_1352 [0] : vector<64x64x128xf32> to vector<64x128xf32>
    %mul3A_1354 = arith.constant 5.000000e-02 : f32
    %mul3A_1355 = vector.broadcast %mul3A_1354 : f32 to vector<64x128xf32>
    %mul3A_1356 = arith.mulf %mul3A_1355, %reduce_sum3A_1353 : vector<64x128xf32>
    %add3A_1357 = arith.addf %add3A_1348, %mul3A_1356 : vector<64x128xf32>
    %broadcast_in_dim3A_1358 = vector.shape_cast %add3A_1357 : vector<64x128xf32> to vector<64x1x128xf32>
    %mul3A_1359 = vector.broadcast %broadcast_in_dim3A_1358 : vector<64x1x128xf32> to vector<64x64x128xf32>
    %mul3A_1360 = arith.mulf %mul3A_1334, %mul3A_1359 : vector<64x64x128xf32>
    %reduce_sum3A_1361 = arith.constant dense<0.000000e+00> : vector<64x128xf32>
    %reduce_sum3A_1362 = vector.multi_reduction <add>, %mul3A_1360, %reduce_sum3A_1361 [0] : vector<64x64x128xf32> to vector<64x128xf32>
    %mul3A_1363 = arith.constant 2.500000e-02 : f32
    %mul3A_1364 = vector.broadcast %mul3A_1363 : f32 to vector<64x128xf32>
    %mul3A_1365 = arith.mulf %mul3A_1364, %reduce_sum3A_1362 : vector<64x128xf32>
    %add3A_1366 = arith.addf %add3A_1357, %mul3A_1365 : vector<64x128xf32>
    %get3A_1367 = arith.constant 0 : index
    %get3A_1368 = arith.constant 0 : index
    %get3A_1369 = vector.load %arg7[%get3A_1367, %get3A_1368] : memref<128x64xf32, #tpu.memory_space<vmem>>, vector<128x64xf32>
    %dot_general3A_1370 = arith.constant dense<0.000000e+00> : vector<64x64xf32>
    %dot_general3A_1371 = tpu.matmul %add3A_1366, %get3A_1369, %dot_general3A_1370 {dimension_numbers = #tpu.dot_dimension_numbers<[1], [0], [0], [1], [0, 0, 1, 1], [], []>, transpose_lhs_hint = false} : vector<64x128xf32>, vector<128x64xf32>, vector<64x64xf32> -> vector<64x64xf32>
    %get3A_1372 = arith.constant 0 : index
    %get3A_1373 = arith.constant 0 : index
    %get3A_1374 = vector.load %arg8[%get3A_1372, %get3A_1373] : memref<1x64xf32, #tpu.memory_space<vmem>>, vector<1x64xf32>
    %add3A_1375 = vector.broadcast %get3A_1374 : vector<1x64xf32> to vector<64x64xf32>
    %add3A_1376 = arith.addf %dot_general3A_1371, %add3A_1375 : vector<64x64xf32>
    %tanh3A_1377 = math.tanh %add3A_1376 : vector<64x64xf32>
    %get3A_1378 = arith.constant 0 : index
    %get3A_1379 = arith.constant 0 : index
    %get3A_1380 = vector.load %arg9[%get3A_1378, %get3A_1379] : memref<64x1xf32, #tpu.memory_space<vmem>>, vector<64x1xf32>
    %dot_general3A_1381 = arith.constant dense<0.000000e+00> : vector<64x1xf32>
    %dot_general3A_1382 = tpu.matmul %tanh3A_1377, %get3A_1380, %dot_general3A_1381 {dimension_numbers = #tpu.dot_dimension_numbers<[1], [0], [0], [1], [0, 0, 1, 1], [], []>, transpose_lhs_hint = false} : vector<64x64xf32>, vector<64x1xf32>, vector<64x1xf32> -> vector<64x1xf32>
    %get3A_1383 = arith.constant 0 : index
    %get3A_1384 = arith.constant 0 : index
    %get3A_1385 = vector.load %arg10[%get3A_1383, %get3A_1384] : memref<1x1xf32, #tpu.memory_space<vmem>>, vector<1x1xf32>
    %add3A_1386 = vector.broadcast %get3A_1385 : vector<1x1xf32> to vector<64x1xf32>
    %add3A_1387 = arith.addf %dot_general3A_1382, %add3A_1386 : vector<64x1xf32>
    %mul3A_1388 = arith.constant 16 : i32
    %mul3A_1389 = arith.muli %mul3A_1388, %arg0 : i32
    %add3A_1390 = arith.constant 14 : i32
    %add3A_1391 = arith.addi %mul3A_1389, %add3A_1390 : i32
    %reduce_sum3A_1392 = arith.constant dense<0.000000e+00> : vector<1xf32>
    %reduce_sum3A_1393 = vector.multi_reduction <add>, %add3A_1387, %reduce_sum3A_1392 [0] : vector<64x1xf32> to vector<1xf32>
    %broadcast_in_dim3A_1394 = vector.shape_cast %reduce_sum3A_1393 : vector<1xf32> to vector<1x1xf32>
    %swap3A_1395 = arith.index_cast %add3A_1391 : i32 to index
    %swap3A_1396 = arith.constant 0 : index
    %swap3A_1397 = vector.load %arg11[%swap3A_1395, %swap3A_1396] : memref<32x1xf32, #tpu.memory_space<vmem>>, vector<1x1xf32>
    tpu.vector_store %arg11[%swap3A_1395, %swap3A_1396], %broadcast_in_dim3A_1394 {strides = array<i32>} : memref<32x1xf32, #tpu.memory_space<vmem>>, vector<1x1xf32>,
    %get3A_1398 = arith.constant 15 : index
    %get3A_1399 = arith.constant 0 : index
    %get3A_1400 = arith.constant 0 : index
    %get3A_1401 = vector.load %arg2[%get3A_1398, %get3A_1399, %get3A_1400] : memref<16x1x4096xf32, #tpu.memory_space<vmem>>, vector<1x1x4096xf32>
    %get3A_1402 = vector.shape_cast %get3A_1401 : vector<1x1x4096xf32> to vector<1x4096xf32>
    %sub3A_1403 = vector.broadcast %get3A_1402 : vector<1x4096xf32> to vector<16x4096xf32>
    %sub3A_1404 = vector.broadcast %mul3A_1 : vector<16x1xf32> to vector<16x4096xf32>
    %sub3A_1405 = arith.subf %sub3A_1403, %sub3A_1404 : vector<16x4096xf32>
    %integer_pow3A_1406 = arith.mulf %sub3A_1405, %sub3A_1405 : vector<16x4096xf32>
    %mul3A_1407 = arith.constant -2.000000e+00 : f32
    %mul3A_1408 = vector.broadcast %mul3A_1407 : f32 to vector<16x4096xf32>
    %mul3A_1409 = arith.mulf %mul3A_1408, %integer_pow3A_1406 : vector<16x4096xf32>
    %exp3A_1410 = math.exp %mul3A_1409 : vector<16x4096xf32>
    %concatenate3A_1411 = tpu.concatenate %exp3A_1410, %broadcast_in_dim3A_11 in 0 : vector<16x4096xf32>, vector<1x4096xf32> -> vector<17x4096xf32>
    %dot_general3A_1412 = arith.constant dense<0.000000e+00> : vector<4096x128xf32>
    %dot_general3A_1413 = tpu.matmul %concatenate3A_1411, %concatenate3A, %dot_general3A_1412 {dimension_numbers = #tpu.dot_dimension_numbers<[0], [0], [1], [1], [0, 1, 1, 1], [], []>, transpose_lhs_hint = false} : vector<17x4096xf32>, vector<17x128xf32>, vector<4096x128xf32> -> vector<4096x128xf32>
    %tanh3A_1414 = math.tanh %dot_general3A_1413 : vector<4096x128xf32>
    %get3A_1415 = arith.constant 0 : index
    %get3A_1416 = arith.constant 0 : index
    %get3A_1417 = vector.load %arg5[%get3A_1415, %get3A_1416] : memref<128x128xf32, #tpu.memory_space<vmem>>, vector<128x128xf32>
    %dot_general3A_1418 = arith.constant dense<0.000000e+00> : vector<4096x128xf32>
    %dot_general3A_1419 = tpu.matmul %tanh3A_1414, %get3A_1417, %dot_general3A_1418 {dimension_numbers = #tpu.dot_dimension_numbers<[1], [0], [0], [1], [0, 0, 1, 1], [], []>, transpose_lhs_hint = false} : vector<4096x128xf32>, vector<128x128xf32>, vector<4096x128xf32> -> vector<4096x128xf32>
    %get3A_1420 = arith.constant 0 : index
    %get3A_1421 = arith.constant 0 : index
    %get3A_1422 = vector.load %arg6[%get3A_1420, %get3A_1421] : memref<1x128xf32, #tpu.memory_space<vmem>>, vector<1x128xf32>
    %add3A_1423 = vector.broadcast %get3A_1422 : vector<1x128xf32> to vector<4096x128xf32>
    %add3A_1424 = arith.addf %dot_general3A_1419, %add3A_1423 : vector<4096x128xf32>
    %reshape3A_1425 = vector.shape_cast %add3A_1424 : vector<4096x128xf32> to vector<64x64x128xf32>
    %mul3A_1426 = vector.broadcast %convert_element_type3A_5 : vector<64x64x1xf32> to vector<64x64x128xf32>
    %mul3A_1427 = arith.mulf %reshape3A_1425, %mul3A_1426 : vector<64x64x128xf32>
    %get3A_1428 = arith.constant 15 : index
    %get3A_1429 = arith.constant 0 : index
    %get3A_1430 = arith.constant 0 : index
    %get3A_1431 = vector.load %arg1[%get3A_1428, %get3A_1429, %get3A_1430] : memref<16x64x128xf32, #tpu.memory_space<vmem>>, vector<1x64x128xf32>
    %get3A_1432 = vector.shape_cast %get3A_1431 : vector<1x64x128xf32> to vector<64x128xf32>
    %broadcast_in_dim3A_1433 = vector.shape_cast %get3A_1432 : vector<64x128xf32> to vector<64x1x128xf32>
    %mul3A_1434 = vector.broadcast %broadcast_in_dim3A_1433 : vector<64x1x128xf32> to vector<64x64x128xf32>
    %mul3A_1435 = arith.mulf %mul3A_1427, %mul3A_1434 : vector<64x64x128xf32>
    %reduce_sum3A_1436 = arith.constant dense<0.000000e+00> : vector<64x128xf32>
    %reduce_sum3A_1437 = vector.multi_reduction <add>, %mul3A_1435, %reduce_sum3A_1436 [0] : vector<64x64x128xf32> to vector<64x128xf32>
    %mul3A_1438 = arith.constant 1.000000e-01 : f32
    %mul3A_1439 = vector.broadcast %mul3A_1438 : f32 to vector<64x128xf32>
    %mul3A_1440 = arith.mulf %mul3A_1439, %reduce_sum3A_1437 : vector<64x128xf32>
    %add3A_1441 = arith.addf %get3A_1432, %mul3A_1440 : vector<64x128xf32>
    %broadcast_in_dim3A_1442 = vector.shape_cast %add3A_1441 : vector<64x128xf32> to vector<64x1x128xf32>
    %mul3A_1443 = vector.broadcast %broadcast_in_dim3A_1442 : vector<64x1x128xf32> to vector<64x64x128xf32>
    %mul3A_1444 = arith.mulf %mul3A_1427, %mul3A_1443 : vector<64x64x128xf32>
    %reduce_sum3A_1445 = arith.constant dense<0.000000e+00> : vector<64x128xf32>
    %reduce_sum3A_1446 = vector.multi_reduction <add>, %mul3A_1444, %reduce_sum3A_1445 [0] : vector<64x64x128xf32> to vector<64x128xf32>
    %mul3A_1447 = arith.constant 5.000000e-02 : f32
    %mul3A_1448 = vector.broadcast %mul3A_1447 : f32 to vector<64x128xf32>
    %mul3A_1449 = arith.mulf %mul3A_1448, %reduce_sum3A_1446 : vector<64x128xf32>
    %add3A_1450 = arith.addf %add3A_1441, %mul3A_1449 : vector<64x128xf32>
    %broadcast_in_dim3A_1451 = vector.shape_cast %add3A_1450 : vector<64x128xf32> to vector<64x1x128xf32>
    %mul3A_1452 = vector.broadcast %broadcast_in_dim3A_1451 : vector<64x1x128xf32> to vector<64x64x128xf32>
    %mul3A_1453 = arith.mulf %mul3A_1427, %mul3A_1452 : vector<64x64x128xf32>
    %reduce_sum3A_1454 = arith.constant dense<0.000000e+00> : vector<64x128xf32>
    %reduce_sum3A_1455 = vector.multi_reduction <add>, %mul3A_1453, %reduce_sum3A_1454 [0] : vector<64x64x128xf32> to vector<64x128xf32>
    %mul3A_1456 = arith.constant 2.500000e-02 : f32
    %mul3A_1457 = vector.broadcast %mul3A_1456 : f32 to vector<64x128xf32>
    %mul3A_1458 = arith.mulf %mul3A_1457, %reduce_sum3A_1455 : vector<64x128xf32>
    %add3A_1459 = arith.addf %add3A_1450, %mul3A_1458 : vector<64x128xf32>
    %get3A_1460 = arith.constant 0 : index
    %get3A_1461 = arith.constant 0 : index
    %get3A_1462 = vector.load %arg7[%get3A_1460, %get3A_1461] : memref<128x64xf32, #tpu.memory_space<vmem>>, vector<128x64xf32>
    %dot_general3A_1463 = arith.constant dense<0.000000e+00> : vector<64x64xf32>
    %dot_general3A_1464 = tpu.matmul %add3A_1459, %get3A_1462, %dot_general3A_1463 {dimension_numbers = #tpu.dot_dimension_numbers<[1], [0], [0], [1], [0, 0, 1, 1], [], []>, transpose_lhs_hint = false} : vector<64x128xf32>, vector<128x64xf32>, vector<64x64xf32> -> vector<64x64xf32>
    %get3A_1465 = arith.constant 0 : index
    %get3A_1466 = arith.constant 0 : index
    %get3A_1467 = vector.load %arg8[%get3A_1465, %get3A_1466] : memref<1x64xf32, #tpu.memory_space<vmem>>, vector<1x64xf32>
    %add3A_1468 = vector.broadcast %get3A_1467 : vector<1x64xf32> to vector<64x64xf32>
    %add3A_1469 = arith.addf %dot_general3A_1464, %add3A_1468 : vector<64x64xf32>
    %tanh3A_1470 = math.tanh %add3A_1469 : vector<64x64xf32>
    %get3A_1471 = arith.constant 0 : index
    %get3A_1472 = arith.constant 0 : index
    %get3A_1473 = vector.load %arg9[%get3A_1471, %get3A_1472] : memref<64x1xf32, #tpu.memory_space<vmem>>, vector<64x1xf32>
    %dot_general3A_1474 = arith.constant dense<0.000000e+00> : vector<64x1xf32>
    %dot_general3A_1475 = tpu.matmul %tanh3A_1470, %get3A_1473, %dot_general3A_1474 {dimension_numbers = #tpu.dot_dimension_numbers<[1], [0], [0], [1], [0, 0, 1, 1], [], []>, transpose_lhs_hint = false} : vector<64x64xf32>, vector<64x1xf32>, vector<64x1xf32> -> vector<64x1xf32>
    %get3A_1476 = arith.constant 0 : index
    %get3A_1477 = arith.constant 0 : index
    %get3A_1478 = vector.load %arg10[%get3A_1476, %get3A_1477] : memref<1x1xf32, #tpu.memory_space<vmem>>, vector<1x1xf32>
    %add3A_1479 = vector.broadcast %get3A_1478 : vector<1x1xf32> to vector<64x1xf32>
    %add3A_1480 = arith.addf %dot_general3A_1475, %add3A_1479 : vector<64x1xf32>
    %mul3A_1481 = arith.constant 16 : i32
    %mul3A_1482 = arith.muli %mul3A_1481, %arg0 : i32
    %add3A_1483 = arith.constant 15 : i32
    %add3A_1484 = arith.addi %mul3A_1482, %add3A_1483 : i32
    %reduce_sum3A_1485 = arith.constant dense<0.000000e+00> : vector<1xf32>
    %reduce_sum3A_1486 = vector.multi_reduction <add>, %add3A_1480, %reduce_sum3A_1485 [0] : vector<64x1xf32> to vector<1xf32>
    %broadcast_in_dim3A_1487 = vector.shape_cast %reduce_sum3A_1486 : vector<1xf32> to vector<1x1xf32>
    %swap3A_1488 = arith.index_cast %add3A_1484 : i32 to index
    %swap3A_1489 = arith.constant 0 : index
    %swap3A_1490 = vector.load %arg11[%swap3A_1488, %swap3A_1489] : memref<32x1xf32, #tpu.memory_space<vmem>>, vector<1x1xf32>
    tpu.vector_store %arg11[%swap3A_1488, %swap3A_1489], %broadcast_in_dim3A_1487 {strides = array<i32>} : memref<32x1xf32, #tpu.memory_space<vmem>>, vector<1x1xf32>,
    return
  }
  func.func @transform_0(%arg0: i32) -> (i32, i32, i32) {
    %c0_i32 = arith.constant 0 : i32
    %c0_i32_0 = arith.constant 0 : i32
    %c0_i32_1 = arith.constant 0 : i32
    return %arg0, %c0_i32, %c0_i32_0 : i32, i32, i32
  }
  func.func @transform_1(%arg0: i32) -> (i32, i32, i32) {
    %c0_i32 = arith.constant 0 : i32
    %c0_i32_0 = arith.constant 0 : i32
    %c0_i32_1 = arith.constant 0 : i32
    return %arg0, %c0_i32, %c0_i32_0 : i32, i32, i32
  }
  func.func @transform_2(%arg0: i32) -> (i32, i32) {
    %c0_i32 = arith.constant 0 : i32
    %c0_i32_0 = arith.constant 0 : i32
    %c0_i32_1 = arith.constant 0 : i32
    return %c0_i32, %c0_i32_0 : i32, i32
  }
  func.func @transform_3(%arg0: i32) -> (i32, i32) {
    %c0_i32 = arith.constant 0 : i32
    %c0_i32_0 = arith.constant 0 : i32
    %c0_i32_1 = arith.constant 0 : i32
    return %c0_i32, %c0_i32_0 : i32, i32
  }
  func.func @transform_4(%arg0: i32) -> (i32, i32) {
    %c0_i32 = arith.constant 0 : i32
    %c0_i32_0 = arith.constant 0 : i32
    %c0_i32_1 = arith.constant 0 : i32
    return %c0_i32, %c0_i32_0 : i32, i32
  }
  func.func @transform_5(%arg0: i32) -> (i32, i32) {
    %c0_i32 = arith.constant 0 : i32
    %c0_i32_0 = arith.constant 0 : i32
    %c0_i32_1 = arith.constant 0 : i32
    return %c0_i32, %c0_i32_0 : i32, i32
  }
  func.func @transform_6(%arg0: i32) -> (i32, i32) {
    %c0_i32 = arith.constant 0 : i32
    %c0_i32_0 = arith.constant 0 : i32
    %c0_i32_1 = arith.constant 0 : i32
    return %c0_i32, %c0_i32_0 : i32, i32
  }
  func.func @transform_7(%arg0: i32) -> (i32, i32) {
    %c0_i32 = arith.constant 0 : i32
    %c0_i32_0 = arith.constant 0 : i32
    %c0_i32_1 = arith.constant 0 : i32
    return %c0_i32, %c0_i32_0 : i32, i32
  }
  func.func @transform_8(%arg0: i32) -> (i32, i32) {
    %c0_i32 = arith.constant 0 : i32
    %c0_i32_0 = arith.constant 0 : i32
    %c0_i32_1 = arith.constant 0 : i32
    return %c0_i32, %c0_i32_0 : i32, i32
  }
  func.func @transform_9(%arg0: i32) -> (i32, i32) {
    %c0_i32 = arith.constant 0 : i32
    %c0_i32_0 = arith.constant 0 : i32
    %c0_i32_1 = arith.constant 0 : i32
    return %c0_i32, %c0_i32_0 : i32, i32
  }
  func.func @transform_10(%arg0: i32) -> (i32, i32) {
    %c0_i32 = arith.constant 0 : i32
    %c0_i32_0 = arith.constant 0 : i32
    %c0_i32_1 = arith.constant 0 : i32
    return %c0_i32, %c0_i32_0 : i32, i32
  }
}

</mosaic_0001>

<sc_bundles>
// kernel: kernel.4.cloned.1.call-start
scs
__scs_entry_jumppad:
0x0: {  	(pc) =	sbr.rel $0x88, $3  }
0x1: {  	(tag) =	ssettag $0x0;
	lr =	simm.s32 $0x1  }
0x2: {  	[smem:$0x3F96] =	sst lr;
	_ =	strace $0xD0000000  }
0x3: {  	_ = 	snop  }
0x4: {  	_ = 	snop  }
0x5: {  	_ = 	snop  }
0x6: {  	_ = 	snop  }
0x7: {  	_ = 	snop  }
__scs_overlays_trampoline_lowered:
0x8: {  	[smem:$0x3FA5] =	sst s0  }
0x9: {  	[smem:$0x3FA6] =	sst s1  }
0xa: {  	[smem:$0x3FA7] =	sst s2  }
0xb: {  	[smem:$0x3FA8] =	sst s3  }
0xc: {  	[smem:$0x3FA9] =	sst s4  }
0xd: {  	[smem:$0x3FAA] =	sst s5  }
0xe: {  	[smem:$0x3FAB] =	sst s6  }
0xf: {  	[smem:$0x3FAC] =	sst s7  }
0x10: {  	[smem:$0x3FAD] =	sst s8  }
0x11: {  	[smem:$0x3FAE] =	sst s9;
	s0 =	simm.s32 @!p0 $0x0  }
0x12: {  	s1 =	sld [smem:$0x3F94];
	s0 =	simm.s32 @p0 $0x1  }
0x13: {  	[smem:$0x3FAF] =	sst s0;
	s0 =	simm.s32 @!p1 $0x0  }
0x14: {  	s2 =	sld [smem:$0x3F93];
	s0 =	simm.s32 @p1 $0x1  }
0x15: {  	[smem:$0x3FB0] =	sst s0;
	s0 =	simm.s32 @!p2 $0x0  }
0x16: {  	s3 =	sld [smem:$0x3FDB];
	s0 =	simm.s32 @p2 $0x1  }
0x17: {  	s4 =	simm.s32 $0x1BF5;
	[smem:$0x3FB2] =	sst s0  }
0x18: {  	s0 =	sld [smem:$0x3F95];
	_ =	swait.ge [sflag:s4], $0x0  }
0x19: {  	s7 =	sld [smem:$0x3F96]  }
0x1a: {  	s8 =	sadd.s32 $0xFFFFE003, lr  }
0x1b: {  	s9 =	sadd.s32 $0xFFFFFEF7, lr;
	s5 =	simm.s32 $0xFFFFFFFF;
	p2 =	slt.u32 s8, $0xFFFFF086  }
0x1c: {  	p1 =	slt.u32 s9, $0xF7A;
	s5 =	simm.s32 @!p2 $0x0  }
0x1d: {  	s5 =	simm.s32 @p1 $0x1;
	p0 =	seq.s32 s7, s2  }
0x1e: {  	s7 =	smul.u32 @!p0 $0xF7A, s2;
	p2 =	seq.s32 @!p0 s5, $0x0  }
0x1f: {  	s9 =	smul.u32 $0xF7A, s1;
	s8 =	simm.s32 @!p0 $0x1BF5;
	p2 =	por !p2, p0  }
0x20: {  	[sflag:s8] =	ssyncset.s32 @!p0 $0xFFFFF086;
	s6 =	sadd.s32 @!p0 s3, s7;
	s7 =	simm.s32 @!p0 $0x108  }
0x21: {  	s3 =	sadd.s32 s3, s9;
	s6 =	sadd.s32 @!p0 $0x88, s6;
	s7 =	simm.s32 @p2 $0x1082  }
0x22: {  	[simem:s7], [sflag:s8] =	dma.local @!p0 [hbm:s6], $0xF7A  }
0x23: {  	s9 =	sor.u32 $0xD0000000, s2;
	s6 =	simm.s32 $0x108;
	_ =	swait.ge @!p0 [sflag:s8], $0x0  }
0x24: {  	s3 =	sadd.s32 $0x88, s3;
	s6 =	simm.s32 @!p1 $0x1082;
	[sflag:s4] =	ssyncset.s32 $0xFFFFF086  }
0x25: {  	[simem:s6], [sflag:s4] =	dma.local [hbm:s3], $0xF7A  }
0x26: {  	[smem:$0x3F96] =	sst s1;
	(tag) =	ssettag s2;
	_ =	strace s9  }
0x27: {  	s1 =	sld [smem:$0x3FA6]  }
0x28: {  	s2 =	sld [smem:$0x3FA7]  }
0x29: {  	s4 =	sld [smem:$0x3FA9]  }
0x2a: {  	p0 =	seq.s32 s5, $0x0;
	s5 =	sld [smem:$0x3FAA]  }
0x2b: {  	s6 =	sld [smem:$0x3FAB]  }
0x2c: {  	s7 =	sld [smem:$0x3FAC]  }
0x2d: {  	s3 =	simm.s32 $0x108;
	s8 =	sld [smem:$0x3FAD]  }
0x2e: {  	s3 =	simm.s32 @!p0 $0x1082;
	s9 =	sld [smem:$0x3FAE]  }
0x2f: {  	lr =	sadd.s32 s0, s3;
	s0 =	sld [smem:$0x3FA5]  }
0x30: {  	s3 =	sld [smem:$0x3FA8]  }
0x31: {  	[smem:$0x3FB1] =	sst s10  }
0x32: {  	s10 =	sld [smem:$0x3FAF];
	_ =	sdelay $0x3  }
0x33: {  	p0 =	seq.s32 s10, $0x1;
	s10 =	sld [smem:$0x3FB1];
	_ =	sdelay $0x3  }
0x34: {  	[smem:$0x3FB1] =	sst s10  }
0x35: {  	s10 =	sld [smem:$0x3FB0];
	_ =	sdelay $0x3  }
0x36: {  	p1 =	seq.s32 s10, $0x1;
	s10 =	sld [smem:$0x3FB1];
	_ =	sdelay $0x3  }
0x37: {  	[smem:$0x3FB1] =	sst s10  }
0x38: {  	s10 =	sld [smem:$0x3FB2]  }
0x39: {  	_ = 	snop;
	(pc) =	sbr.ind lr, $3  }
0x3a: {  	_ = 	snop  }
0x3b: {  	_ = 	snop  }
0x3c: {  	p2 =	seq.s32 s10, $0x1;
	s10 =	sld [smem:$0x3FB1]  }
0x3d: {  	_ =	shalt  }
0x3e: {  	_ =	shalt  }
0x3f: {  	_ =	shalt  }
0x40: {  	_ =	shalt  }
0x41: {  	_ =	shalt  }
0x42: {  	_ =	shalt  }
0x43: {  	_ =	shalt  }
0x44: {  	_ =	shalt  }
0x45: {  	_ =	shalt  }
0x46: {  	_ =	shalt  }
0x47: {  	_ =	shalt  }
0x48: {  	_ =	shalt  }
0x49: {  	_ =	shalt  }
0x4a: {  	_ =	shalt  }
0x4b: {  	_ =	shalt  }
0x4c: {  	_ =	shalt  }
0x4d: {  	_ =	shalt  }
0x4e: {  	_ =	shalt  }
0x4f: {  	_ =	shalt  }
0x50: {  	_ =	shalt  }
0x51: {  	_ =	shalt  }
0x52: {  	_ =	shalt  }
0x53: {  	_ =	shalt  }
0x54: {  	_ =	shalt  }
0x55: {  	_ =	shalt  }
0x56: {  	_ =	shalt  }
0x57: {  	_ =	shalt  }
0x58: {  	_ =	shalt  }
0x59: {  	_ =	shalt  }
0x5a: {  	_ =	shalt  }
0x5b: {  	_ =	shalt  }
0x5c: {  	_ =	shalt  }
0x5d: {  	_ =	shalt  }
0x5e: {  	_ =	shalt  }
0x5f: {  	_ =	shalt  }
0x60: {  	_ =	shalt  }
0x61: {  	_ =	shalt  }
0x62: {  	_ =	shalt  }
0x63: {  	_ =	shalt  }
0x64: {  	_ =	shalt  }
0x65: {  	_ =	shalt  }
0x66: {  	_ =	shalt  }
0x67: {  	_ =	shalt  }
0x68: {  	_ =	shalt  }
0x69: {  	_ =	shalt  }
0x6a: {  	_ =	shalt  }
0x6b: {  	_ =	shalt  }
0x6c: {  	_ =	shalt  }
0x6d: {  	_ =	shalt  }
0x6e: {  	_ =	shalt  }
0x6f: {  	_ =	shalt  }
0x70: {  	_ =	shalt  }
0x71: {  	_ =	shalt  }
0x72: {  	_ =	shalt  }
0x73: {  	_ =	shalt  }
0x74: {  	_ =	shalt  }
0x75: {  	_ =	shalt  }
0x76: {  	_ =	shalt  }
0x77: {  	_ =	shalt  }
0x78: {  	_ =	shalt  }
0x79: {  	_ =	shalt  }
0x7a: {  	_ =	shalt  }
0x7b: {  	_ =	shalt  }
0x7c: {  	_ =	shalt  }
0x7d: {  	_ =	shalt  }
0x7e: {  	_ =	shalt  }
0x7f: {  	_ =	shalt  }
0x80: {  	_ =	shalt  }
0x81: {  	_ =	shalt  }
0x82: {  	_ =	shalt  }
0x83: {  	_ =	shalt  }
0x84: {  	_ =	shalt  }
0x85: {  	_ =	shalt  }
0x86: {  	_ =	shalt  }
0x87: {  	_ =	shalt  }
.Lfunc_end0:
.L_simem_size_0:
called_computation_lowered:
.L_overlay_start_0:
0x88: {  	s2 =	sld [smem:$0x3FD9]  }
0x89: {  	s3 =	sld [smem:$0x3FFE];
	_ =	sdelay $0x1  }
0x8a: {  	s1 =	srdreg.scid  }
0x8b: {  	s0 =	sand.u32 $0x1, s1  }
0x8c: {  	s17 =	sshll.u32 s0, $0xA;
	s2 =	sadd.s32 s3, s2  }
0x8d: {  	s2 =	sadd.s32 s2, s17  }
0x8e: {  	[smem:$0x3FBD] =	sst s2  }
0x8f: {  	_ = 	snop  }
0x90: {  	s2 =	sld [smem:$0x3FC7];
	(tm) =	ssettm $0x1  }
0x91: {  	s18 =	sld [smem:$0x3FFB];
	_ =	sdelay $0x3  }
0x92: {  	_ =	strace s18  }
0x93: {  	s3 =	sld [smem:$0x3FFC];
	_ =	sdelay $0x3  }
0x94: {  	_ =	strace s3  }
0x95: {  	s3 =	sld [smem:$0x3FFD];
	_ =	sdelay $0x3  }
0x96: {  	_ =	strace s3  }
0x97: {  	_ =	strace $0x8FFFFFFF  }
0x98: {  	s19 =	sld [smem:$0x3FDB];
	_ =	sdelay $0x1  }
0x99: {  	s4 =	simm.s32 $_scs_section_size  }
0x9a: {  	s5 =	simm.s32 $_size__tile_overlayer_lowered;
	s6 =	simm.s32 $_tile_overlayer_lowered  }
0x9b: {  	s22 =	simm.s32 $0x1BFF;
	s21 =	sshll.u32 s6, $0x1;
	s3 =	sadd.s32 s4, s19  }
0x9c: {  	s7 =	simm.s32 $0x0;
	s20 =	sshll.u32 s5, $0x1;
	s5 =	sadd.s32 s21, s3  }
0x9d: {  	[timem:s7], [sflag:s22] =	dma.local [hbm:s5], s20  }
0x9e: {  	_ =	swait.ge [sflag:s22], s20  }
0x9f: {  	s4 =	ssub.s32 $0x0, s20;
	[sflag:s22] =	ssyncset.done $0x0  }
0xa0: {  	[sflag:s22] =	ssyncadd.s32 s4;
	_ =	sdelay $0x1  }
0xa1: {  	s23 =	simm.s32 $0x1B8B  }
0xa2: {  	_ =	swait.ge [sflag:s23], $0x1  }
0xa3: {  	[sflag:s23] =	ssyncset.done $0x0  }
0xa4: {  	s25 =	simm.s32 $0x1B8E;
	s24 =	sld [smem:$0x3FFE];
	[sflag:s23] =	ssyncadd.s32 $0xFFFFFFFF  }
0xa5: {  	s26 =	simm.s32 $execute0_lowered;
	[smem:$0x3FD2] =	sst s25  }
0xa6: {  	s5 =	sshll.u32 s26, $0x1;
	_ =	strace $0x80000046;
	[dreg:$0x1] =	wrdreg $0xFFFFFFFF  }
0xa7: {  	s28 =	simm.s32 $_size_execute0_lowered;
	s3 =	sadd.s32 s3, s5;
	[dreg:$0x0] =	wrdreg $0x0  }
0xa8: {  	s5 =	sshll.u32 s28, $0x1;
	[dreg:$0x2] =	wrdreg s3  }
0xa9: {  	[dreg:$0x3] =	wrdreg s5  }
0xaa: {  	[dreg:$0x4] =	wrdreg $0xC0  }
0xab: {  	_ =	task [dreg:s7], $0x5FFFF  }
0xac: {  	[dreg:$0x1] =	wrdreg $0xFFFFFFFF  }
0xad: {  	[dreg:$0x0] =	wrdreg $0x60  }
0xae: {  	[dreg:$0x2] =	wrdreg s2  }
0xaf: {  	[dreg:$0x3] =	wrdreg s24  }
0xb0: {  	[dreg:$0x4] =	wrdreg $0x9  }
0xb1: {  	_ =	task.clear_ibuf [dreg:s7], $0x5FFFF;
	_ =	strace $0x90000046  }
0xb2: {  	s29 =	simm.s32 $0x9;
	_ =	strace $0x80000048  }
0xb3: {  	_ =	swait.ge [sflag:s29], $0x1  }
0xb4: {  	[sflag:s29] =	ssyncadd.s32 $0xFFFFFFFF  }
0xb5: {  	_ =	strace $0x90000048  }
0xb6: {  	_ =	sfence  }
0xb7: {  	s30 =	sld [smem:$0x0];
	_ =	sdelay $0x2  }
0xb8: {  	s31 =	sshll.u32 s1, $0xD;
	s1 =	sshrl.u32 s1, $0x2  }
0xb9: {  	s3 =	sand.u32 $0x4000, s31;
	s1 =	sadd.s32 s1, s30  }
0xba: {  	s0 =	sor.u32 s3, s0;
	s1 =	sshll.u32 s1, $0x11  }
0xbb: {  	s0 =	sor.u32 s1, s0  }
0xbc: {  	s0 =	sadd.s32 $0x8F2B, s0  }
0xbd: {  	[sflag:s0] =	ssyncadd.remote.s32 $0x1  }
0xbe: {  	_ =	sfence.sel $0xFFFF  }
0xbf: {  	[dreg:$0x0] =	wrdreg $0xFFFFFFFF;
	(pc) =	sbr.abs _section_cstart, $3  }
0xc0: {  	[dreg:$0x1] =	wrdreg $0xFFFFFFFF  }
0xc1: {  	_ =	task.clear_ibuf [dreg:s7], $0x2FFFF;
	_ =	strace $0x9FFFFFFF  }
0xc2: {  	(tm) =	ssettm $0x7FFFFFFF  }
0xc3: {  	_ =	shalt  }
tec
execute0_lowered:
.L_overlay_start_1:
0x0: {  	(tag) =	ssettag $0x1  }
0x1: {  	s1 =	srdreg.scid  }
0x2: {  	s0 =	stileid.u32;
	s2 =	rddreg [dreg:$0x0];
	s6 =	sand.u32 $0x1, s1  }
0x3: {  	s9 =	rddreg [dreg:$0x1];
	s30 =	sshll.u32 s0, $0x7;
	s3 =	sshll.u32 s6, $0x6  }
0x4: {  	s7 =	simm.s32 $0x80;
	s8 =	simm.s32 $0x1;
	s10 =	sor.u32 s3, s30  }
0x5: {  	s1 =	rddreg [dreg:$0x2];
	s3 =	simm.s32 $0x0;
	s4 =	sshrl.u32 s10, $0x3  }
0x6: {  	s11 =	ssub.s32 $0x2, s6;
	[smem:$0x7FF] =	sst s3;
	s4 =	sadd.s32 s4, s9  }
0x7: {  	_ =	strace $0x80000047;
	s5 =	sadd.s32 $0x1600, s4;
	s4 =	simm.s32 $0x2  }
0x8: {  	[tilespmem:s3], [sflag:$0x2] =	stream.linear.gather [hbm4b:s5+s3], $0x40, $0x38;
	[tilespmem:$0x2080] =	vst v63  }
0x9: {  	s6 =	simm.s32 $0x40;
	s12 =	sshrl.u32 s11, $0x1;
	_ =	swait.ge [sflag:s4], $0x40  }
0xa: {  	s10 =	sshll.u32 s10, $0x4;
	s31 =	ssub.s32 s11, s12;
	[sflag:s4] =	ssyncset.done $0x0  }
0xb: {  	s9 =	sadd.s32 s10, s9;
	s10 =	smax.u32 s31, $0x1;
	[sflag:s4] =	ssyncadd.s32 $0xFFFFFFC0  }
0xc: {  	[tilespmem:s7], [sflag:$0x1] =	stream.indirect.gather [hbm4b:s2+s6], $0x80, s3, s6, $0xb8;
	[tilespmem:$0x2080] =	vst v63  }
0xd: {  	p0 =	sne.s32 s10, $0x1;
	_ =	swait.ge [sflag:s8], $0x2000  }
.Ltmp0:
0xe: {  	[sflag:s8] =	ssyncset.done $0x0;
	(pc) =	sbr.rel @!p0 .LBB2_2-.Ltmp0, $4  }
0xf: {  	s9 =	sadd.s32 $0x1800, s9;
	[sflag:s8] =	ssyncadd.s32 $0xFFFFE000  }
0x10: {  	[hbm4b:s9+s3] =	stream.linear.scatter [tilespmem:s7], [sflag:$0x2], $0x2000, $0x38;
	[tilespmem:$0x2080] =	vst v63  }
0x11: {  	_ =	swait.ge [sflag:s4], $0x2000  }
0x12: {  	s10 =	sadd.s32 $0xFFFFFFFF, s10;
	[sflag:s4] =	ssyncset.done $0x0  }
.LBB2_1:
0x13: {  	p0 =	sne.s32 s10, $0x1;
	s10 =	sadd.s32 $0xFFFFFFFF, s10;
	[sflag:s4] =	ssyncadd.s32 $0xFFFFE000  }
0x14: {  	[tilespmem:s3], [sflag:$0x2] =	stream.linear.gather [hbm4b:s5+s3], $0x40, $0x38;
	[tilespmem:$0x2080] =	vst v63  }
0x15: {  	_ =	swait.ge [sflag:s4], $0x40  }
0x16: {  	[sflag:s4] =	ssyncset.done $0x0  }
0x17: {  	[sflag:s4] =	ssyncadd.s32 $0xFFFFFFC0  }
0x18: {  	[tilespmem:s7], [sflag:$0x1] =	stream.indirect.gather [hbm4b:s2+s6], $0x80, s3, s6, $0xb8;
	[tilespmem:$0x2080] =	vst v63  }
0x19: {  	_ =	swait.ge [sflag:s8], $0x2000  }
.Ltmp1:
0x1a: {  	[sflag:s8] =	ssyncset.done $0x0;
	(pc) =	sbr.rel @p0 .LBB2_1-.Ltmp1, $4  }
0x1b: {  	[sflag:s8] =	ssyncadd.s32 $0xFFFFE000  }
0x1c: {  	[hbm4b:s9+s3] =	stream.linear.scatter [tilespmem:s7], [sflag:$0x2], $0x2000, $0x38;
	[tilespmem:$0x2080] =	vst v63  }
0x1d: {  	_ =	swait.ge [sflag:s4], $0x2000  }
0x1e: {  	[sflag:s4] =	ssyncset.done $0x0  }
.LBB2_2:
0x1f: {  	[sflag:s4] =	ssyncadd.s32 $0xFFFFE000  }
0x20: {  	_ =	sfence.sel $0x180000  }
0x21: {  	[bflag:$0x0] =	sbarrier.arrive $0xFFFF  }
0x22: {  	p0 =	sne.s32 s0, $0x0;
	_ =	strace $0x90000047  }
0x23: {  	s0 =	sadd.s32 @!p0 $0x100000, s1;
	[bflag:$0x2] =	sbarrier.arrive $0xFFFF  }
0x24: {  	[sflag:s0] =	ssyncadd.tile.s32 @!p0 $0x1;
	_ =	shalt  }
.Lfunc_end2:
_tile_overlayer_lowered:
.L_overlay_start_2:
0x25: {  	(tag) =	ssettag $0x2  }
0x26: {  	s0 =	rddreg [dreg:$0x0];
	s2 =	stileid.u32  }
0x27: {  	s1 =	rddreg [dreg:$0x1];
	p0 =	sne.s32 s2, $0x0  }
0x28: {  	s3 =	rddreg [dreg:$0x2];
	[bflag:$0x3] =	sbarrier.arrive $0xFFFF;
	s2 =	simm.s32 @!p0 $0x1C02  }
0x29: {  	[timem:s3], [sflag:s2] =	dma.local @!p0 [hbm:s0], s1  }
0x2a: {  	s0 =	simm.s32 @!p0 $0x2  }
0x2b: {  	_ =	swait.ge @!p0 [sflag:s0], s1  }
0x2c: {  	s1 =	ssub.s32 @!p0 $0x0, s1;
	[sflag:s0] =	ssyncset.done @!p0 $0x0  }
0x2d: {  	[sflag:s0] =	ssyncadd.s32 @!p0 s1  }
0x2e: {  	[bflag:$0x3] =	sbarrier.arrive $0xFFFF  }
0x2f: {  	_ =	shalt  }

</sc_bundles>
